<compile_context>
chip_gen: v7x
topology: tpu7x:2x2x1
jax: 0.10.2.dev20260603
libtpu: 0.0.44.dev20260713+nightly
codegen_flags: <defaults>
</compile_context>

<pallas_src>
import functools

import jax
import jax.numpy as jnp
from jax import lax
from jax.experimental import pallas as pl
from jax.experimental.pallas import tpu as pltpu
from jax.experimental.pallas import tpu_sc as plsc


def _gather_kernel(dim, nw, nslab, s, chunk, nbuf):
    mesh = plsc.VectorSubcoreMesh(core_axis_name="c", subcore_axis_name="s")
    nc = mesh.num_cores
    ngroups = nslab // nbuf
    assert ngroups * nbuf == nslab

    @functools.partial(
        pl.kernel,
        out_type=jax.ShapeDtypeStruct((nw, nslab, s, chunk, dim), jnp.float32),
        mesh=mesh,
        scratch_types=[
            pltpu.VMEM((nslab, s, chunk), jnp.int32),
            pltpu.VMEM((nbuf, s, chunk, dim), jnp.float32),
            pltpu.SemaphoreType.DMA,
            pltpu.SemaphoreType.DMA,
        ],
        compiler_params=pltpu.CompilerParams(use_tc_tiling_on_sc=False),
    )
    def k(idx_hbm, table_hbm, out_hbm, idx_v, rows_v, gsem, wsem):
        wid = lax.axis_index("s") * nc + lax.axis_index("c")
        pltpu.sync_copy(idx_hbm.at[wid], idx_v)

        def start_gather(j, b):
            for i in range(s):
                pltpu.async_copy(
                    table_hbm.at[idx_v.at[j].at[i]], rows_v.at[b].at[i], gsem
                )

        def wait_gather(b):
            pltpu.make_async_copy(
                out_hbm.at[wid].at[0], rows_v.at[b], gsem
            ).wait()

        def start_wb(j, b):
            pltpu.async_copy(rows_v.at[b], out_hbm.at[wid].at[j], wsem)

        def wait_wb(b):
            pltpu.make_async_copy(
                rows_v.at[b], out_hbm.at[wid].at[0], wsem
            ).wait()

        for b in range(nbuf):
            start_gather(b, b)
        for b in range(nbuf):
            wait_gather(b)
            start_wb(b, b)

        @pl.loop(1, ngroups)
        def grp(g):
            j0 = g * nbuf
            for b in range(nbuf):
                wait_wb(b)
                start_gather(j0 + b, b)
            for b in range(nbuf):
                wait_gather(b)
                start_wb(j0 + b, b)

        for b in range(nbuf):
            wait_wb(b)

    return k


def kernel(input_ids, table):
    b, h = input_ids.shape
    v, d = table.shape
    n = b * h
    idx = input_ids.reshape(n).astype(jnp.int32)

    nw = 32
    chunk = 128
    s = 4
    nbuf = 2
    rows_per_w = n // nw
    nslab = rows_per_w // (s * chunk)
    assert rows_per_w * nw == n and nslab * s * chunk == rows_per_w

    idx4 = idx.reshape(nw, nslab, s, chunk)
    out = _gather_kernel(d, nw, nslab, s, chunk, nbuf)(idx4, table)
    return out.reshape(b, h, d)

# --- scband reference (transcript-rebuilt; emitter-appended) ---
"""Pipeline reference for scband-inference-embedding-1228360646801 (READ-ONLY COPY).

The authoritative reference and input builder live on the scoring server;
editing this copy changes nothing except your own understanding.
"""

import jax, jax.numpy as jnp
import numpy as np

VOCAB = 1000000
DIM = 64
BATCH = 16384
HIST = 50

def setup_inputs(seed: int = 0) -> dict:
    key = jax.random.key(seed)
    k1, k2 = jax.random.split(key)
    input_ids = jax.random.randint(k1, (BATCH, HIST), 0, VOCAB, dtype=jnp.int64 if jax.config.read('jax_enable_x64') else jnp.int32)
    # truncated-normal init (std=0.02, clamp to [-2, 2] sigma) matching to_empty init
    tmp = jax.random.normal(k2, (VOCAB, DIM), dtype=jnp.float32)
    tmp = jnp.clip(tmp, -2.0, 2.0)
    table = tmp * 0.02
    return {"input_ids": input_ids, "table": table}

def reference(input_ids, table):
    # torch.nn.Embedding forward: row gather from the table
    return jnp.take(table, input_ids, axis=0)

if __name__ == "__main__":
    import jax
    _d = setup_inputs()
    print(jax.jit(kernel)(*tuple(_d.values())))

</pallas_src>

<mosaic_0001>
#map = affine_map<(d0, d1) -> (0, 0, 0, 0)>
#map1 = affine_map<(d0, d1) -> (0, 0)>
#map2 = affine_map<(d0, d1) -> (0, 0, 0, 0, 0)>
module attributes {stable_mosaic.version = 14 : i64} {
  func.func @k(%arg0: i32, %arg1: i32, %arg2: memref<32x50x4x128xi32, #tpu.memory_space<hbm>>, %arg3: memref<1000000x64xf32, #tpu.memory_space<hbm>>, %arg4: memref<32x50x4x128x64xf32, #tpu.memory_space<hbm>>, %arg5: memref<50x4x128xi32, #tpu.memory_space<vmem>>, %arg6: memref<2x4x128x64xf32, #tpu.memory_space<vmem>>, %arg7: memref<!tpu.dma_semaphore, #tpu.memory_space<semaphore_mem>>, %arg8: memref<!tpu.dma_semaphore, #tpu.memory_space<semaphore_mem>>) attributes {dimension_semantics = [#tpu.dimension_semantics<core_parallel>, #tpu.dimension_semantics<subcore_parallel>], iteration_bounds = array<i64: 2, 16>, scalar_prefetch = 0 : i64, scratch_operands = 4 : i64, tpu.core_type = #tpu.core_type<sc_vector_subcore>, window_params = [{transform_indices = #map}, {transform_indices = #map1}, {transform_indices = #map2}]} {
    %mul3A = arith.constant 2 : i32
    %mul3A_0 = arith.muli %arg1, %mul3A : i32
    %add3A = arith.addi %mul3A_0, %arg0 : i32
    "tpu.region"() ({
      %run_scoped3A = tpu.sem_alloc : memref<!tpu.dma_semaphore, #tpu.memory_space<semaphore_mem>>
      %dma_start3A_391 = arith.constant 0 : i32
      %dma_start3A_392 = arith.constant 0 : i32
      %dma_start3A_393 = arith.constant 0 : i32
      %dma_start3A_394 = tpu.memref_slice %arg2[%add3A, %dma_start3A_391, %dma_start3A_392, %dma_start3A_393] : memref<32x50x4x128xi32, #tpu.memory_space<hbm>> -> memref<1x50x4x128xi32, #tpu.memory_space<hbm>>
      %dma_start3A_395 = tpu.memref_squeeze %dma_start3A_394 : memref<1x50x4x128xi32, #tpu.memory_space<hbm>> -> memref<50x4x128xi32, #tpu.memory_space<hbm>>
      %dma_start3A_396 = arith.constant 0 : i32
      %dma_start3A_397 = arith.constant 0 : i32
      %dma_start3A_398 = arith.constant 0 : i32
      %dma_start3A_399 = tpu.memref_slice %arg2[%add3A, %dma_start3A_396, %dma_start3A_397, %dma_start3A_398] : memref<32x50x4x128xi32, #tpu.memory_space<hbm>> -> memref<1x50x4x128xi32, #tpu.memory_space<hbm>>
      %dma_start3A_400 = tpu.memref_squeeze %dma_start3A_399 : memref<1x50x4x128xi32, #tpu.memory_space<hbm>> -> memref<50x4x128xi32, #tpu.memory_space<hbm>>
      tpu.enqueue_dma source(%dma_start3A_400 : memref<50x4x128xi32, #tpu.memory_space<hbm>>) target(%arg5 : memref<50x4x128xi32, #tpu.memory_space<vmem>>) target_semaphore(%run_scoped3A : memref<!tpu.dma_semaphore, #tpu.memory_space<semaphore_mem>>)
      %dma_wait3A_401 = arith.constant 0 : i32
      %dma_wait3A_402 = arith.constant 0 : i32
      %dma_wait3A_403 = arith.constant 0 : i32
      %dma_wait3A_404 = tpu.memref_slice %arg2[%add3A, %dma_wait3A_401, %dma_wait3A_402, %dma_wait3A_403] : memref<32x50x4x128xi32, #tpu.memory_space<hbm>> -> memref<1x50x4x128xi32, #tpu.memory_space<hbm>>
      %dma_wait3A_405 = tpu.memref_squeeze %dma_wait3A_404 : memref<1x50x4x128xi32, #tpu.memory_space<hbm>> -> memref<50x4x128xi32, #tpu.memory_space<hbm>>
      %dma_wait3A_406 = arith.constant 0 : i32
      %dma_wait3A_407 = arith.constant 0 : i32
      %dma_wait3A_408 = arith.constant 0 : i32
      %dma_wait3A_409 = tpu.memref_slice %arg2[%add3A, %dma_wait3A_406, %dma_wait3A_407, %dma_wait3A_408] : memref<32x50x4x128xi32, #tpu.memory_space<hbm>> -> memref<1x50x4x128xi32, #tpu.memory_space<hbm>>
      %dma_wait3A_410 = tpu.memref_squeeze %dma_wait3A_409 : memref<1x50x4x128xi32, #tpu.memory_space<hbm>> -> memref<50x4x128xi32, #tpu.memory_space<hbm>>
      tpu.wait_dma2 semaphore(%run_scoped3A : memref<!tpu.dma_semaphore, #tpu.memory_space<semaphore_mem>>) src(%dma_wait3A_410 : memref<50x4x128xi32, #tpu.memory_space<hbm>>) dst(%arg5 : memref<50x4x128xi32, #tpu.memory_space<vmem>>)
      tpu.yield
    }) : () -> ()
    %dma_start3A = arith.constant 0 : i32
    %dma_start3A_1 = arith.constant 0 : i32
    %dma_start3A_2 = arith.constant 0 : i32
    %dma_start3A_3 = arith.constant 0 : i32
    %dma_start3A_4 = arith.constant 0 : i32
    %dma_start3A_5 = arith.constant 0 : i32
    %dma_start3A_6 = arith.constant 0 : i32
    %dma_start3A_7 = tpu.memref_slice %arg6[%dma_start3A_2, %dma_start3A_4, %dma_start3A_5, %dma_start3A_6] : memref<2x4x128x64xf32, #tpu.memory_space<vmem>> -> memref<1x4x128x64xf32, #tpu.memory_space<vmem>>
    %dma_start3A_8 = tpu.memref_squeeze %dma_start3A_7 : memref<1x4x128x64xf32, #tpu.memory_space<vmem>> -> memref<4x128x64xf32, #tpu.memory_space<vmem>>
    %dma_start3A_9 = arith.constant 0 : i32
    %dma_start3A_10 = arith.constant 0 : i32
    %dma_start3A_11 = tpu.memref_slice %dma_start3A_8[%dma_start3A_3, %dma_start3A_9, %dma_start3A_10] : memref<4x128x64xf32, #tpu.memory_space<vmem>> -> memref<1x128x64xf32, #tpu.memory_space<vmem>>
    %dma_start3A_12 = tpu.memref_squeeze %dma_start3A_11 : memref<1x128x64xf32, #tpu.memory_space<vmem>> -> memref<128x64xf32, #tpu.memory_space<vmem>>
    %dma_start3A_13 = arith.constant 0 : i32
    %dma_start3A_14 = arith.constant 0 : i32
    %dma_start3A_15 = tpu.memref_slice %arg5[%dma_start3A, %dma_start3A_13, %dma_start3A_14] : memref<50x4x128xi32, #tpu.memory_space<vmem>> -> memref<1x4x128xi32, #tpu.memory_space<vmem>>
    %dma_start3A_16 = tpu.memref_squeeze %dma_start3A_15 : memref<1x4x128xi32, #tpu.memory_space<vmem>> -> memref<4x128xi32, #tpu.memory_space<vmem>>
    %dma_start3A_17 = arith.constant 0 : i32
    %dma_start3A_18 = tpu.memref_slice %dma_start3A_16[%dma_start3A_1, %dma_start3A_17] : memref<4x128xi32, #tpu.memory_space<vmem>> -> memref<1x128xi32, #tpu.memory_space<vmem>>
    %dma_start3A_19 = tpu.memref_squeeze %dma_start3A_18 : memref<1x128xi32, #tpu.memory_space<vmem>> -> memref<128xi32, #tpu.memory_space<vmem>>
    %dma_start3A_20 = arith.constant 0 : i32
    %dma_start3A_21 = arith.constant 0 : i32
    %dma_start3A_22 = tpu.memref_slice %arg3[%dma_start3A_20, %dma_start3A_21] : memref<1000000x64xf32, #tpu.memory_space<hbm>> -> memref<1000000x64xf32, #tpu.memory_space<hbm>>
    tpu.enqueue_indirect_dma source(%dma_start3A_22 : memref<1000000x64xf32, #tpu.memory_space<hbm>>) target(%dma_start3A_12 : memref<128x64xf32, #tpu.memory_space<vmem>>) offsets(%dma_start3A_19 : memref<128xi32, #tpu.memory_space<vmem>>) semaphore(%arg7 : memref<!tpu.dma_semaphore, #tpu.memory_space<semaphore_mem>>)
    %dma_start3A_23 = arith.constant 0 : i32
    %dma_start3A_24 = arith.constant 1 : i32
    %dma_start3A_25 = arith.constant 0 : i32
    %dma_start3A_26 = arith.constant 1 : i32
    %dma_start3A_27 = arith.constant 0 : i32
    %dma_start3A_28 = arith.constant 0 : i32
    %dma_start3A_29 = arith.constant 0 : i32
    %dma_start3A_30 = tpu.memref_slice %arg6[%dma_start3A_25, %dma_start3A_27, %dma_start3A_28, %dma_start3A_29] : memref<2x4x128x64xf32, #tpu.memory_space<vmem>> -> memref<1x4x128x64xf32, #tpu.memory_space<vmem>>
    %dma_start3A_31 = tpu.memref_squeeze %dma_start3A_30 : memref<1x4x128x64xf32, #tpu.memory_space<vmem>> -> memref<4x128x64xf32, #tpu.memory_space<vmem>>
    %dma_start3A_32 = arith.constant 0 : i32
    %dma_start3A_33 = arith.constant 0 : i32
    %dma_start3A_34 = tpu.memref_slice %dma_start3A_31[%dma_start3A_26, %dma_start3A_32, %dma_start3A_33] : memref<4x128x64xf32, #tpu.memory_space<vmem>> -> memref<1x128x64xf32, #tpu.memory_space<vmem>>
    %dma_start3A_35 = tpu.memref_squeeze %dma_start3A_34 : memref<1x128x64xf32, #tpu.memory_space<vmem>> -> memref<128x64xf32, #tpu.memory_space<vmem>>
    %dma_start3A_36 = arith.constant 0 : i32
    %dma_start3A_37 = arith.constant 0 : i32
    %dma_start3A_38 = tpu.memref_slice %arg5[%dma_start3A_23, %dma_start3A_36, %dma_start3A_37] : memref<50x4x128xi32, #tpu.memory_space<vmem>> -> memref<1x4x128xi32, #tpu.memory_space<vmem>>
    %dma_start3A_39 = tpu.memref_squeeze %dma_start3A_38 : memref<1x4x128xi32, #tpu.memory_space<vmem>> -> memref<4x128xi32, #tpu.memory_space<vmem>>
    %dma_start3A_40 = arith.constant 0 : i32
    %dma_start3A_41 = tpu.memref_slice %dma_start3A_39[%dma_start3A_24, %dma_start3A_40] : memref<4x128xi32, #tpu.memory_space<vmem>> -> memref<1x128xi32, #tpu.memory_space<vmem>>
    %dma_start3A_42 = tpu.memref_squeeze %dma_start3A_41 : memref<1x128xi32, #tpu.memory_space<vmem>> -> memref<128xi32, #tpu.memory_space<vmem>>
    %dma_start3A_43 = arith.constant 0 : i32
    %dma_start3A_44 = arith.constant 0 : i32
    %dma_start3A_45 = tpu.memref_slice %arg3[%dma_start3A_43, %dma_start3A_44] : memref<1000000x64xf32, #tpu.memory_space<hbm>> -> memref<1000000x64xf32, #tpu.memory_space<hbm>>
    tpu.enqueue_indirect_dma source(%dma_start3A_45 : memref<1000000x64xf32, #tpu.memory_space<hbm>>) target(%dma_start3A_35 : memref<128x64xf32, #tpu.memory_space<vmem>>) offsets(%dma_start3A_42 : memref<128xi32, #tpu.memory_space<vmem>>) semaphore(%arg7 : memref<!tpu.dma_semaphore, #tpu.memory_space<semaphore_mem>>)
    %dma_start3A_46 = arith.constant 0 : i32
    %dma_start3A_47 = arith.constant 2 : i32
    %dma_start3A_48 = arith.constant 0 : i32
    %dma_start3A_49 = arith.constant 2 : i32
    %dma_start3A_50 = arith.constant 0 : i32
    %dma_start3A_51 = arith.constant 0 : i32
    %dma_start3A_52 = arith.constant 0 : i32
    %dma_start3A_53 = tpu.memref_slice %arg6[%dma_start3A_48, %dma_start3A_50, %dma_start3A_51, %dma_start3A_52] : memref<2x4x128x64xf32, #tpu.memory_space<vmem>> -> memref<1x4x128x64xf32, #tpu.memory_space<vmem>>
    %dma_start3A_54 = tpu.memref_squeeze %dma_start3A_53 : memref<1x4x128x64xf32, #tpu.memory_space<vmem>> -> memref<4x128x64xf32, #tpu.memory_space<vmem>>
    %dma_start3A_55 = arith.constant 0 : i32
    %dma_start3A_56 = arith.constant 0 : i32
    %dma_start3A_57 = tpu.memref_slice %dma_start3A_54[%dma_start3A_49, %dma_start3A_55, %dma_start3A_56] : memref<4x128x64xf32, #tpu.memory_space<vmem>> -> memref<1x128x64xf32, #tpu.memory_space<vmem>>
    %dma_start3A_58 = tpu.memref_squeeze %dma_start3A_57 : memref<1x128x64xf32, #tpu.memory_space<vmem>> -> memref<128x64xf32, #tpu.memory_space<vmem>>
    %dma_start3A_59 = arith.constant 0 : i32
    %dma_start3A_60 = arith.constant 0 : i32
    %dma_start3A_61 = tpu.memref_slice %arg5[%dma_start3A_46, %dma_start3A_59, %dma_start3A_60] : memref<50x4x128xi32, #tpu.memory_space<vmem>> -> memref<1x4x128xi32, #tpu.memory_space<vmem>>
    %dma_start3A_62 = tpu.memref_squeeze %dma_start3A_61 : memref<1x4x128xi32, #tpu.memory_space<vmem>> -> memref<4x128xi32, #tpu.memory_space<vmem>>
    %dma_start3A_63 = arith.constant 0 : i32
    %dma_start3A_64 = tpu.memref_slice %dma_start3A_62[%dma_start3A_47, %dma_start3A_63] : memref<4x128xi32, #tpu.memory_space<vmem>> -> memref<1x128xi32, #tpu.memory_space<vmem>>
    %dma_start3A_65 = tpu.memref_squeeze %dma_start3A_64 : memref<1x128xi32, #tpu.memory_space<vmem>> -> memref<128xi32, #tpu.memory_space<vmem>>
    %dma_start3A_66 = arith.constant 0 : i32
    %dma_start3A_67 = arith.constant 0 : i32
    %dma_start3A_68 = tpu.memref_slice %arg3[%dma_start3A_66, %dma_start3A_67] : memref<1000000x64xf32, #tpu.memory_space<hbm>> -> memref<1000000x64xf32, #tpu.memory_space<hbm>>
    tpu.enqueue_indirect_dma source(%dma_start3A_68 : memref<1000000x64xf32, #tpu.memory_space<hbm>>) target(%dma_start3A_58 : memref<128x64xf32, #tpu.memory_space<vmem>>) offsets(%dma_start3A_65 : memref<128xi32, #tpu.memory_space<vmem>>) semaphore(%arg7 : memref<!tpu.dma_semaphore, #tpu.memory_space<semaphore_mem>>)
    %dma_start3A_69 = arith.constant 0 : i32
    %dma_start3A_70 = arith.constant 3 : i32
    %dma_start3A_71 = arith.constant 0 : i32
    %dma_start3A_72 = arith.constant 3 : i32
    %dma_start3A_73 = arith.constant 0 : i32
    %dma_start3A_74 = arith.constant 0 : i32
    %dma_start3A_75 = arith.constant 0 : i32
    %dma_start3A_76 = tpu.memref_slice %arg6[%dma_start3A_71, %dma_start3A_73, %dma_start3A_74, %dma_start3A_75] : memref<2x4x128x64xf32, #tpu.memory_space<vmem>> -> memref<1x4x128x64xf32, #tpu.memory_space<vmem>>
    %dma_start3A_77 = tpu.memref_squeeze %dma_start3A_76 : memref<1x4x128x64xf32, #tpu.memory_space<vmem>> -> memref<4x128x64xf32, #tpu.memory_space<vmem>>
    %dma_start3A_78 = arith.constant 0 : i32
    %dma_start3A_79 = arith.constant 0 : i32
    %dma_start3A_80 = tpu.memref_slice %dma_start3A_77[%dma_start3A_72, %dma_start3A_78, %dma_start3A_79] : memref<4x128x64xf32, #tpu.memory_space<vmem>> -> memref<1x128x64xf32, #tpu.memory_space<vmem>>
    %dma_start3A_81 = tpu.memref_squeeze %dma_start3A_80 : memref<1x128x64xf32, #tpu.memory_space<vmem>> -> memref<128x64xf32, #tpu.memory_space<vmem>>
    %dma_start3A_82 = arith.constant 0 : i32
    %dma_start3A_83 = arith.constant 0 : i32
    %dma_start3A_84 = tpu.memref_slice %arg5[%dma_start3A_69, %dma_start3A_82, %dma_start3A_83] : memref<50x4x128xi32, #tpu.memory_space<vmem>> -> memref<1x4x128xi32, #tpu.memory_space<vmem>>
    %dma_start3A_85 = tpu.memref_squeeze %dma_start3A_84 : memref<1x4x128xi32, #tpu.memory_space<vmem>> -> memref<4x128xi32, #tpu.memory_space<vmem>>
    %dma_start3A_86 = arith.constant 0 : i32
    %dma_start3A_87 = tpu.memref_slice %dma_start3A_85[%dma_start3A_70, %dma_start3A_86] : memref<4x128xi32, #tpu.memory_space<vmem>> -> memref<1x128xi32, #tpu.memory_space<vmem>>
    %dma_start3A_88 = tpu.memref_squeeze %dma_start3A_87 : memref<1x128xi32, #tpu.memory_space<vmem>> -> memref<128xi32, #tpu.memory_space<vmem>>
    %dma_start3A_89 = arith.constant 0 : i32
    %dma_start3A_90 = arith.constant 0 : i32
    %dma_start3A_91 = tpu.memref_slice %arg3[%dma_start3A_89, %dma_start3A_90] : memref<1000000x64xf32, #tpu.memory_space<hbm>> -> memref<1000000x64xf32, #tpu.memory_space<hbm>>
    tpu.enqueue_indirect_dma source(%dma_start3A_91 : memref<1000000x64xf32, #tpu.memory_space<hbm>>) target(%dma_start3A_81 : memref<128x64xf32, #tpu.memory_space<vmem>>) offsets(%dma_start3A_88 : memref<128xi32, #tpu.memory_space<vmem>>) semaphore(%arg7 : memref<!tpu.dma_semaphore, #tpu.memory_space<semaphore_mem>>)
    %dma_start3A_92 = arith.constant 1 : i32
    %dma_start3A_93 = arith.constant 0 : i32
    %dma_start3A_94 = arith.constant 1 : i32
    %dma_start3A_95 = arith.constant 0 : i32
    %dma_start3A_96 = arith.constant 0 : i32
    %dma_start3A_97 = arith.constant 0 : i32
    %dma_start3A_98 = arith.constant 0 : i32
    %dma_start3A_99 = tpu.memref_slice %arg6[%dma_start3A_94, %dma_start3A_96, %dma_start3A_97, %dma_start3A_98] : memref<2x4x128x64xf32, #tpu.memory_space<vmem>> -> memref<1x4x128x64xf32, #tpu.memory_space<vmem>>
    %dma_start3A_100 = tpu.memref_squeeze %dma_start3A_99 : memref<1x4x128x64xf32, #tpu.memory_space<vmem>> -> memref<4x128x64xf32, #tpu.memory_space<vmem>>
    %dma_start3A_101 = arith.constant 0 : i32
    %dma_start3A_102 = arith.constant 0 : i32
    %dma_start3A_103 = tpu.memref_slice %dma_start3A_100[%dma_start3A_95, %dma_start3A_101, %dma_start3A_102] : memref<4x128x64xf32, #tpu.memory_space<vmem>> -> memref<1x128x64xf32, #tpu.memory_space<vmem>>
    %dma_start3A_104 = tpu.memref_squeeze %dma_start3A_103 : memref<1x128x64xf32, #tpu.memory_space<vmem>> -> memref<128x64xf32, #tpu.memory_space<vmem>>
    %dma_start3A_105 = arith.constant 0 : i32
    %dma_start3A_106 = arith.constant 0 : i32
    %dma_start3A_107 = tpu.memref_slice %arg5[%dma_start3A_92, %dma_start3A_105, %dma_start3A_106] : memref<50x4x128xi32, #tpu.memory_space<vmem>> -> memref<1x4x128xi32, #tpu.memory_space<vmem>>
    %dma_start3A_108 = tpu.memref_squeeze %dma_start3A_107 : memref<1x4x128xi32, #tpu.memory_space<vmem>> -> memref<4x128xi32, #tpu.memory_space<vmem>>
    %dma_start3A_109 = arith.constant 0 : i32
    %dma_start3A_110 = tpu.memref_slice %dma_start3A_108[%dma_start3A_93, %dma_start3A_109] : memref<4x128xi32, #tpu.memory_space<vmem>> -> memref<1x128xi32, #tpu.memory_space<vmem>>
    %dma_start3A_111 = tpu.memref_squeeze %dma_start3A_110 : memref<1x128xi32, #tpu.memory_space<vmem>> -> memref<128xi32, #tpu.memory_space<vmem>>
    %dma_start3A_112 = arith.constant 0 : i32
    %dma_start3A_113 = arith.constant 0 : i32
    %dma_start3A_114 = tpu.memref_slice %arg3[%dma_start3A_112, %dma_start3A_113] : memref<1000000x64xf32, #tpu.memory_space<hbm>> -> memref<1000000x64xf32, #tpu.memory_space<hbm>>
    tpu.enqueue_indirect_dma source(%dma_start3A_114 : memref<1000000x64xf32, #tpu.memory_space<hbm>>) target(%dma_start3A_104 : memref<128x64xf32, #tpu.memory_space<vmem>>) offsets(%dma_start3A_111 : memref<128xi32, #tpu.memory_space<vmem>>) semaphore(%arg7 : memref<!tpu.dma_semaphore, #tpu.memory_space<semaphore_mem>>)
    %dma_start3A_115 = arith.constant 1 : i32
    %dma_start3A_116 = arith.constant 1 : i32
    %dma_start3A_117 = arith.constant 1 : i32
    %dma_start3A_118 = arith.constant 1 : i32
    %dma_start3A_119 = arith.constant 0 : i32
    %dma_start3A_120 = arith.constant 0 : i32
    %dma_start3A_121 = arith.constant 0 : i32
    %dma_start3A_122 = tpu.memref_slice %arg6[%dma_start3A_117, %dma_start3A_119, %dma_start3A_120, %dma_start3A_121] : memref<2x4x128x64xf32, #tpu.memory_space<vmem>> -> memref<1x4x128x64xf32, #tpu.memory_space<vmem>>
    %dma_start3A_123 = tpu.memref_squeeze %dma_start3A_122 : memref<1x4x128x64xf32, #tpu.memory_space<vmem>> -> memref<4x128x64xf32, #tpu.memory_space<vmem>>
    %dma_start3A_124 = arith.constant 0 : i32
    %dma_start3A_125 = arith.constant 0 : i32
    %dma_start3A_126 = tpu.memref_slice %dma_start3A_123[%dma_start3A_118, %dma_start3A_124, %dma_start3A_125] : memref<4x128x64xf32, #tpu.memory_space<vmem>> -> memref<1x128x64xf32, #tpu.memory_space<vmem>>
    %dma_start3A_127 = tpu.memref_squeeze %dma_start3A_126 : memref<1x128x64xf32, #tpu.memory_space<vmem>> -> memref<128x64xf32, #tpu.memory_space<vmem>>
    %dma_start3A_128 = arith.constant 0 : i32
    %dma_start3A_129 = arith.constant 0 : i32
    %dma_start3A_130 = tpu.memref_slice %arg5[%dma_start3A_115, %dma_start3A_128, %dma_start3A_129] : memref<50x4x128xi32, #tpu.memory_space<vmem>> -> memref<1x4x128xi32, #tpu.memory_space<vmem>>
    %dma_start3A_131 = tpu.memref_squeeze %dma_start3A_130 : memref<1x4x128xi32, #tpu.memory_space<vmem>> -> memref<4x128xi32, #tpu.memory_space<vmem>>
    %dma_start3A_132 = arith.constant 0 : i32
    %dma_start3A_133 = tpu.memref_slice %dma_start3A_131[%dma_start3A_116, %dma_start3A_132] : memref<4x128xi32, #tpu.memory_space<vmem>> -> memref<1x128xi32, #tpu.memory_space<vmem>>
    %dma_start3A_134 = tpu.memref_squeeze %dma_start3A_133 : memref<1x128xi32, #tpu.memory_space<vmem>> -> memref<128xi32, #tpu.memory_space<vmem>>
    %dma_start3A_135 = arith.constant 0 : i32
    %dma_start3A_136 = arith.constant 0 : i32
    %dma_start3A_137 = tpu.memref_slice %arg3[%dma_start3A_135, %dma_start3A_136] : memref<1000000x64xf32, #tpu.memory_space<hbm>> -> memref<1000000x64xf32, #tpu.memory_space<hbm>>
    tpu.enqueue_indirect_dma source(%dma_start3A_137 : memref<1000000x64xf32, #tpu.memory_space<hbm>>) target(%dma_start3A_127 : memref<128x64xf32, #tpu.memory_space<vmem>>) offsets(%dma_start3A_134 : memref<128xi32, #tpu.memory_space<vmem>>) semaphore(%arg7 : memref<!tpu.dma_semaphore, #tpu.memory_space<semaphore_mem>>)
    %dma_start3A_138 = arith.constant 1 : i32
    %dma_start3A_139 = arith.constant 2 : i32
    %dma_start3A_140 = arith.constant 1 : i32
    %dma_start3A_141 = arith.constant 2 : i32
    %dma_start3A_142 = arith.constant 0 : i32
    %dma_start3A_143 = arith.constant 0 : i32
    %dma_start3A_144 = arith.constant 0 : i32
    %dma_start3A_145 = tpu.memref_slice %arg6[%dma_start3A_140, %dma_start3A_142, %dma_start3A_143, %dma_start3A_144] : memref<2x4x128x64xf32, #tpu.memory_space<vmem>> -> memref<1x4x128x64xf32, #tpu.memory_space<vmem>>
    %dma_start3A_146 = tpu.memref_squeeze %dma_start3A_145 : memref<1x4x128x64xf32, #tpu.memory_space<vmem>> -> memref<4x128x64xf32, #tpu.memory_space<vmem>>
    %dma_start3A_147 = arith.constant 0 : i32
    %dma_start3A_148 = arith.constant 0 : i32
    %dma_start3A_149 = tpu.memref_slice %dma_start3A_146[%dma_start3A_141, %dma_start3A_147, %dma_start3A_148] : memref<4x128x64xf32, #tpu.memory_space<vmem>> -> memref<1x128x64xf32, #tpu.memory_space<vmem>>
    %dma_start3A_150 = tpu.memref_squeeze %dma_start3A_149 : memref<1x128x64xf32, #tpu.memory_space<vmem>> -> memref<128x64xf32, #tpu.memory_space<vmem>>
    %dma_start3A_151 = arith.constant 0 : i32
    %dma_start3A_152 = arith.constant 0 : i32
    %dma_start3A_153 = tpu.memref_slice %arg5[%dma_start3A_138, %dma_start3A_151, %dma_start3A_152] : memref<50x4x128xi32, #tpu.memory_space<vmem>> -> memref<1x4x128xi32, #tpu.memory_space<vmem>>
    %dma_start3A_154 = tpu.memref_squeeze %dma_start3A_153 : memref<1x4x128xi32, #tpu.memory_space<vmem>> -> memref<4x128xi32, #tpu.memory_space<vmem>>
    %dma_start3A_155 = arith.constant 0 : i32
    %dma_start3A_156 = tpu.memref_slice %dma_start3A_154[%dma_start3A_139, %dma_start3A_155] : memref<4x128xi32, #tpu.memory_space<vmem>> -> memref<1x128xi32, #tpu.memory_space<vmem>>
    %dma_start3A_157 = tpu.memref_squeeze %dma_start3A_156 : memref<1x128xi32, #tpu.memory_space<vmem>> -> memref<128xi32, #tpu.memory_space<vmem>>
    %dma_start3A_158 = arith.constant 0 : i32
    %dma_start3A_159 = arith.constant 0 : i32
    %dma_start3A_160 = tpu.memref_slice %arg3[%dma_start3A_158, %dma_start3A_159] : memref<1000000x64xf32, #tpu.memory_space<hbm>> -> memref<1000000x64xf32, #tpu.memory_space<hbm>>
    tpu.enqueue_indirect_dma source(%dma_start3A_160 : memref<1000000x64xf32, #tpu.memory_space<hbm>>) target(%dma_start3A_150 : memref<128x64xf32, #tpu.memory_space<vmem>>) offsets(%dma_start3A_157 : memref<128xi32, #tpu.memory_space<vmem>>) semaphore(%arg7 : memref<!tpu.dma_semaphore, #tpu.memory_space<semaphore_mem>>)
    %dma_start3A_161 = arith.constant 1 : i32
    %dma_start3A_162 = arith.constant 3 : i32
    %dma_start3A_163 = arith.constant 1 : i32
    %dma_start3A_164 = arith.constant 3 : i32
    %dma_start3A_165 = arith.constant 0 : i32
    %dma_start3A_166 = arith.constant 0 : i32
    %dma_start3A_167 = arith.constant 0 : i32
    %dma_start3A_168 = tpu.memref_slice %arg6[%dma_start3A_163, %dma_start3A_165, %dma_start3A_166, %dma_start3A_167] : memref<2x4x128x64xf32, #tpu.memory_space<vmem>> -> memref<1x4x128x64xf32, #tpu.memory_space<vmem>>
    %dma_start3A_169 = tpu.memref_squeeze %dma_start3A_168 : memref<1x4x128x64xf32, #tpu.memory_space<vmem>> -> memref<4x128x64xf32, #tpu.memory_space<vmem>>
    %dma_start3A_170 = arith.constant 0 : i32
    %dma_start3A_171 = arith.constant 0 : i32
    %dma_start3A_172 = tpu.memref_slice %dma_start3A_169[%dma_start3A_164, %dma_start3A_170, %dma_start3A_171] : memref<4x128x64xf32, #tpu.memory_space<vmem>> -> memref<1x128x64xf32, #tpu.memory_space<vmem>>
    %dma_start3A_173 = tpu.memref_squeeze %dma_start3A_172 : memref<1x128x64xf32, #tpu.memory_space<vmem>> -> memref<128x64xf32, #tpu.memory_space<vmem>>
    %dma_start3A_174 = arith.constant 0 : i32
    %dma_start3A_175 = arith.constant 0 : i32
    %dma_start3A_176 = tpu.memref_slice %arg5[%dma_start3A_161, %dma_start3A_174, %dma_start3A_175] : memref<50x4x128xi32, #tpu.memory_space<vmem>> -> memref<1x4x128xi32, #tpu.memory_space<vmem>>
    %dma_start3A_177 = tpu.memref_squeeze %dma_start3A_176 : memref<1x4x128xi32, #tpu.memory_space<vmem>> -> memref<4x128xi32, #tpu.memory_space<vmem>>
    %dma_start3A_178 = arith.constant 0 : i32
    %dma_start3A_179 = tpu.memref_slice %dma_start3A_177[%dma_start3A_162, %dma_start3A_178] : memref<4x128xi32, #tpu.memory_space<vmem>> -> memref<1x128xi32, #tpu.memory_space<vmem>>
    %dma_start3A_180 = tpu.memref_squeeze %dma_start3A_179 : memref<1x128xi32, #tpu.memory_space<vmem>> -> memref<128xi32, #tpu.memory_space<vmem>>
    %dma_start3A_181 = arith.constant 0 : i32
    %dma_start3A_182 = arith.constant 0 : i32
    %dma_start3A_183 = tpu.memref_slice %arg3[%dma_start3A_181, %dma_start3A_182] : memref<1000000x64xf32, #tpu.memory_space<hbm>> -> memref<1000000x64xf32, #tpu.memory_space<hbm>>
    tpu.enqueue_indirect_dma source(%dma_start3A_183 : memref<1000000x64xf32, #tpu.memory_space<hbm>>) target(%dma_start3A_173 : memref<128x64xf32, #tpu.memory_space<vmem>>) offsets(%dma_start3A_180 : memref<128xi32, #tpu.memory_space<vmem>>) semaphore(%arg7 : memref<!tpu.dma_semaphore, #tpu.memory_space<semaphore_mem>>)
    %dma_wait3A = arith.constant 0 : i32
    %dma_wait3A_184 = arith.constant 0 : i32
    %dma_wait3A_185 = arith.constant 0 : i32
    %dma_wait3A_186 = arith.constant 0 : i32
    %dma_wait3A_187 = arith.constant 0 : i32
    %dma_wait3A_188 = tpu.memref_slice %arg6[%dma_wait3A_184, %dma_wait3A_185, %dma_wait3A_186, %dma_wait3A_187] : memref<2x4x128x64xf32, #tpu.memory_space<vmem>> -> memref<1x4x128x64xf32, #tpu.memory_space<vmem>>
    %dma_wait3A_189 = tpu.memref_squeeze %dma_wait3A_188 : memref<1x4x128x64xf32, #tpu.memory_space<vmem>> -> memref<4x128x64xf32, #tpu.memory_space<vmem>>
    %dma_wait3A_190 = arith.constant 0 : i32
    %dma_wait3A_191 = arith.constant 0 : i32
    %dma_wait3A_192 = arith.constant 0 : i32
    %dma_wait3A_193 = arith.constant 0 : i32
    %dma_wait3A_194 = tpu.memref_slice %arg4[%add3A, %dma_wait3A_190, %dma_wait3A_191, %dma_wait3A_192, %dma_wait3A_193] : memref<32x50x4x128x64xf32, #tpu.memory_space<hbm>> -> memref<1x50x4x128x64xf32, #tpu.memory_space<hbm>>
    %dma_wait3A_195 = tpu.memref_squeeze %dma_wait3A_194 : memref<1x50x4x128x64xf32, #tpu.memory_space<hbm>> -> memref<50x4x128x64xf32, #tpu.memory_space<hbm>>
    %dma_wait3A_196 = arith.constant 0 : i32
    %dma_wait3A_197 = arith.constant 0 : i32
    %dma_wait3A_198 = arith.constant 0 : i32
    %dma_wait3A_199 = tpu.memref_slice %dma_wait3A_195[%dma_wait3A, %dma_wait3A_196, %dma_wait3A_197, %dma_wait3A_198] : memref<50x4x128x64xf32, #tpu.memory_space<hbm>> -> memref<1x4x128x64xf32, #tpu.memory_space<hbm>>
    %dma_wait3A_200 = tpu.memref_squeeze %dma_wait3A_199 : memref<1x4x128x64xf32, #tpu.memory_space<hbm>> -> memref<4x128x64xf32, #tpu.memory_space<hbm>>
    %dma_wait3A_201 = arith.constant 0 : i32
    %dma_wait3A_202 = arith.constant 0 : i32
    %dma_wait3A_203 = arith.constant 0 : i32
    %dma_wait3A_204 = tpu.memref_slice %arg6[%dma_wait3A_184, %dma_wait3A_201, %dma_wait3A_202, %dma_wait3A_203] : memref<2x4x128x64xf32, #tpu.memory_space<vmem>> -> memref<1x4x128x64xf32, #tpu.memory_space<vmem>>
    %dma_wait3A_205 = tpu.memref_squeeze %dma_wait3A_204 : memref<1x4x128x64xf32, #tpu.memory_space<vmem>> -> memref<4x128x64xf32, #tpu.memory_space<vmem>>
    %dma_wait3A_206 = arith.constant 0 : i32
    %dma_wait3A_207 = arith.constant 0 : i32
    %dma_wait3A_208 = arith.constant 0 : i32
    %dma_wait3A_209 = arith.constant 0 : i32
    %dma_wait3A_210 = tpu.memref_slice %arg4[%add3A, %dma_wait3A_206, %dma_wait3A_207, %dma_wait3A_208, %dma_wait3A_209] : memref<32x50x4x128x64xf32, #tpu.memory_space<hbm>> -> memref<1x50x4x128x64xf32, #tpu.memory_space<hbm>>
    %dma_wait3A_211 = tpu.memref_squeeze %dma_wait3A_210 : memref<1x50x4x128x64xf32, #tpu.memory_space<hbm>> -> memref<50x4x128x64xf32, #tpu.memory_space<hbm>>
    %dma_wait3A_212 = arith.constant 0 : i32
    %dma_wait3A_213 = arith.constant 0 : i32
    %dma_wait3A_214 = arith.constant 0 : i32
    %dma_wait3A_215 = tpu.memref_slice %dma_wait3A_211[%dma_wait3A, %dma_wait3A_212, %dma_wait3A_213, %dma_wait3A_214] : memref<50x4x128x64xf32, #tpu.memory_space<hbm>> -> memref<1x4x128x64xf32, #tpu.memory_space<hbm>>
    %dma_wait3A_216 = tpu.memref_squeeze %dma_wait3A_215 : memref<1x4x128x64xf32, #tpu.memory_space<hbm>> -> memref<4x128x64xf32, #tpu.memory_space<hbm>>
    tpu.wait_dma2 semaphore(%arg7 : memref<!tpu.dma_semaphore, #tpu.memory_space<semaphore_mem>>) src(%dma_wait3A_216 : memref<4x128x64xf32, #tpu.memory_space<hbm>>) dst(%dma_wait3A_205 : memref<4x128x64xf32, #tpu.memory_space<vmem>>)
    %dma_start3A_217 = arith.constant 0 : i32
    %dma_start3A_218 = arith.constant 0 : i32
    %dma_start3A_219 = arith.constant 0 : i32
    %dma_start3A_220 = arith.constant 0 : i32
    %dma_start3A_221 = arith.constant 0 : i32
    %dma_start3A_222 = tpu.memref_slice %arg6[%dma_start3A_217, %dma_start3A_219, %dma_start3A_220, %dma_start3A_221] : memref<2x4x128x64xf32, #tpu.memory_space<vmem>> -> memref<1x4x128x64xf32, #tpu.memory_space<vmem>>
    %dma_start3A_223 = tpu.memref_squeeze %dma_start3A_222 : memref<1x4x128x64xf32, #tpu.memory_space<vmem>> -> memref<4x128x64xf32, #tpu.memory_space<vmem>>
    %dma_start3A_224 = arith.constant 0 : i32
    %dma_start3A_225 = arith.constant 0 : i32
    %dma_start3A_226 = arith.constant 0 : i32
    %dma_start3A_227 = arith.constant 0 : i32
    %dma_start3A_228 = tpu.memref_slice %arg4[%add3A, %dma_start3A_224, %dma_start3A_225, %dma_start3A_226, %dma_start3A_227] : memref<32x50x4x128x64xf32, #tpu.memory_space<hbm>> -> memref<1x50x4x128x64xf32, #tpu.memory_space<hbm>>
    %dma_start3A_229 = tpu.memref_squeeze %dma_start3A_228 : memref<1x50x4x128x64xf32, #tpu.memory_space<hbm>> -> memref<50x4x128x64xf32, #tpu.memory_space<hbm>>
    %dma_start3A_230 = arith.constant 0 : i32
    %dma_start3A_231 = arith.constant 0 : i32
    %dma_start3A_232 = arith.constant 0 : i32
    %dma_start3A_233 = tpu.memref_slice %dma_start3A_229[%dma_start3A_218, %dma_start3A_230, %dma_start3A_231, %dma_start3A_232] : memref<50x4x128x64xf32, #tpu.memory_space<hbm>> -> memref<1x4x128x64xf32, #tpu.memory_space<hbm>>
    %dma_start3A_234 = tpu.memref_squeeze %dma_start3A_233 : memref<1x4x128x64xf32, #tpu.memory_space<hbm>> -> memref<4x128x64xf32, #tpu.memory_space<hbm>>
    %dma_start3A_235 = arith.constant 0 : i32
    %dma_start3A_236 = arith.constant 0 : i32
    %dma_start3A_237 = arith.constant 0 : i32
    %dma_start3A_238 = arith.constant 0 : i32
    %dma_start3A_239 = tpu.memref_slice %arg4[%add3A, %dma_start3A_235, %dma_start3A_236, %dma_start3A_237, %dma_start3A_238] : memref<32x50x4x128x64xf32, #tpu.memory_space<hbm>> -> memref<1x50x4x128x64xf32, #tpu.memory_space<hbm>>
    %dma_start3A_240 = tpu.memref_squeeze %dma_start3A_239 : memref<1x50x4x128x64xf32, #tpu.memory_space<hbm>> -> memref<50x4x128x64xf32, #tpu.memory_space<hbm>>
    %dma_start3A_241 = arith.constant 0 : i32
    %dma_start3A_242 = arith.constant 0 : i32
    %dma_start3A_243 = arith.constant 0 : i32
    %dma_start3A_244 = tpu.memref_slice %dma_start3A_240[%dma_start3A_218, %dma_start3A_241, %dma_start3A_242, %dma_start3A_243] : memref<50x4x128x64xf32, #tpu.memory_space<hbm>> -> memref<1x4x128x64xf32, #tpu.memory_space<hbm>>
    %dma_start3A_245 = tpu.memref_squeeze %dma_start3A_244 : memref<1x4x128x64xf32, #tpu.memory_space<hbm>> -> memref<4x128x64xf32, #tpu.memory_space<hbm>>
    %dma_start3A_246 = arith.constant 0 : i32
    %dma_start3A_247 = arith.constant 0 : i32
    %dma_start3A_248 = arith.constant 0 : i32
    %dma_start3A_249 = tpu.memref_slice %arg6[%dma_start3A_217, %dma_start3A_246, %dma_start3A_247, %dma_start3A_248] : memref<2x4x128x64xf32, #tpu.memory_space<vmem>> -> memref<1x4x128x64xf32, #tpu.memory_space<vmem>>
    %dma_start3A_250 = tpu.memref_squeeze %dma_start3A_249 : memref<1x4x128x64xf32, #tpu.memory_space<vmem>> -> memref<4x128x64xf32, #tpu.memory_space<vmem>>
    tpu.enqueue_dma source(%dma_start3A_250 : memref<4x128x64xf32, #tpu.memory_space<vmem>>) target(%dma_start3A_245 : memref<4x128x64xf32, #tpu.memory_space<hbm>>) target_semaphore(%arg8 : memref<!tpu.dma_semaphore, #tpu.memory_space<semaphore_mem>>)
    %dma_wait3A_251 = arith.constant 0 : i32
    %dma_wait3A_252 = arith.constant 1 : i32
    %dma_wait3A_253 = arith.constant 0 : i32
    %dma_wait3A_254 = arith.constant 0 : i32
    %dma_wait3A_255 = arith.constant 0 : i32
    %dma_wait3A_256 = tpu.memref_slice %arg6[%dma_wait3A_252, %dma_wait3A_253, %dma_wait3A_254, %dma_wait3A_255] : memref<2x4x128x64xf32, #tpu.memory_space<vmem>> -> memref<1x4x128x64xf32, #tpu.memory_space<vmem>>
    %dma_wait3A_257 = tpu.memref_squeeze %dma_wait3A_256 : memref<1x4x128x64xf32, #tpu.memory_space<vmem>> -> memref<4x128x64xf32, #tpu.memory_space<vmem>>
    %dma_wait3A_258 = arith.constant 0 : i32
    %dma_wait3A_259 = arith.constant 0 : i32
    %dma_wait3A_260 = arith.constant 0 : i32
    %dma_wait3A_261 = arith.constant 0 : i32
    %dma_wait3A_262 = tpu.memref_slice %arg4[%add3A, %dma_wait3A_258, %dma_wait3A_259, %dma_wait3A_260, %dma_wait3A_261] : memref<32x50x4x128x64xf32, #tpu.memory_space<hbm>> -> memref<1x50x4x128x64xf32, #tpu.memory_space<hbm>>
    %dma_wait3A_263 = tpu.memref_squeeze %dma_wait3A_262 : memref<1x50x4x128x64xf32, #tpu.memory_space<hbm>> -> memref<50x4x128x64xf32, #tpu.memory_space<hbm>>
    %dma_wait3A_264 = arith.constant 0 : i32
    %dma_wait3A_265 = arith.constant 0 : i32
    %dma_wait3A_266 = arith.constant 0 : i32
    %dma_wait3A_267 = tpu.memref_slice %dma_wait3A_263[%dma_wait3A_251, %dma_wait3A_264, %dma_wait3A_265, %dma_wait3A_266] : memref<50x4x128x64xf32, #tpu.memory_space<hbm>> -> memref<1x4x128x64xf32, #tpu.memory_space<hbm>>
    %dma_wait3A_268 = tpu.memref_squeeze %dma_wait3A_267 : memref<1x4x128x64xf32, #tpu.memory_space<hbm>> -> memref<4x128x64xf32, #tpu.memory_space<hbm>>
    %dma_wait3A_269 = arith.constant 0 : i32
    %dma_wait3A_270 = arith.constant 0 : i32
    %dma_wait3A_271 = arith.constant 0 : i32
    %dma_wait3A_272 = tpu.memref_slice %arg6[%dma_wait3A_252, %dma_wait3A_269, %dma_wait3A_270, %dma_wait3A_271] : memref<2x4x128x64xf32, #tpu.memory_space<vmem>> -> memref<1x4x128x64xf32, #tpu.memory_space<vmem>>
    %dma_wait3A_273 = tpu.memref_squeeze %dma_wait3A_272 : memref<1x4x128x64xf32, #tpu.memory_space<vmem>> -> memref<4x128x64xf32, #tpu.memory_space<vmem>>
    %dma_wait3A_274 = arith.constant 0 : i32
    %dma_wait3A_275 = arith.constant 0 : i32
    %dma_wait3A_276 = arith.constant 0 : i32
    %dma_wait3A_277 = arith.constant 0 : i32
    %dma_wait3A_278 = tpu.memref_slice %arg4[%add3A, %dma_wait3A_274, %dma_wait3A_275, %dma_wait3A_276, %dma_wait3A_277] : memref<32x50x4x128x64xf32, #tpu.memory_space<hbm>> -> memref<1x50x4x128x64xf32, #tpu.memory_space<hbm>>
    %dma_wait3A_279 = tpu.memref_squeeze %dma_wait3A_278 : memref<1x50x4x128x64xf32, #tpu.memory_space<hbm>> -> memref<50x4x128x64xf32, #tpu.memory_space<hbm>>
    %dma_wait3A_280 = arith.constant 0 : i32
    %dma_wait3A_281 = arith.constant 0 : i32
    %dma_wait3A_282 = arith.constant 0 : i32
    %dma_wait3A_283 = tpu.memref_slice %dma_wait3A_279[%dma_wait3A_251, %dma_wait3A_280, %dma_wait3A_281, %dma_wait3A_282] : memref<50x4x128x64xf32, #tpu.memory_space<hbm>> -> memref<1x4x128x64xf32, #tpu.memory_space<hbm>>
    %dma_wait3A_284 = tpu.memref_squeeze %dma_wait3A_283 : memref<1x4x128x64xf32, #tpu.memory_space<hbm>> -> memref<4x128x64xf32, #tpu.memory_space<hbm>>
    tpu.wait_dma2 semaphore(%arg7 : memref<!tpu.dma_semaphore, #tpu.memory_space<semaphore_mem>>) src(%dma_wait3A_284 : memref<4x128x64xf32, #tpu.memory_space<hbm>>) dst(%dma_wait3A_273 : memref<4x128x64xf32, #tpu.memory_space<vmem>>)
    %dma_start3A_285 = arith.constant 1 : i32
    %dma_start3A_286 = arith.constant 1 : i32
    %dma_start3A_287 = arith.constant 0 : i32
    %dma_start3A_288 = arith.constant 0 : i32
    %dma_start3A_289 = arith.constant 0 : i32
    %dma_start3A_290 = tpu.memref_slice %arg6[%dma_start3A_285, %dma_start3A_287, %dma_start3A_288, %dma_start3A_289] : memref<2x4x128x64xf32, #tpu.memory_space<vmem>> -> memref<1x4x128x64xf32, #tpu.memory_space<vmem>>
    %dma_start3A_291 = tpu.memref_squeeze %dma_start3A_290 : memref<1x4x128x64xf32, #tpu.memory_space<vmem>> -> memref<4x128x64xf32, #tpu.memory_space<vmem>>
    %dma_start3A_292 = arith.constant 0 : i32
    %dma_start3A_293 = arith.constant 0 : i32
    %dma_start3A_294 = arith.constant 0 : i32
    %dma_start3A_295 = arith.constant 0 : i32
    %dma_start3A_296 = tpu.memref_slice %arg4[%add3A, %dma_start3A_292, %dma_start3A_293, %dma_start3A_294, %dma_start3A_295] : memref<32x50x4x128x64xf32, #tpu.memory_space<hbm>> -> memref<1x50x4x128x64xf32, #tpu.memory_space<hbm>>
    %dma_start3A_297 = tpu.memref_squeeze %dma_start3A_296 : memref<1x50x4x128x64xf32, #tpu.memory_space<hbm>> -> memref<50x4x128x64xf32, #tpu.memory_space<hbm>>
    %dma_start3A_298 = arith.constant 0 : i32
    %dma_start3A_299 = arith.constant 0 : i32
    %dma_start3A_300 = arith.constant 0 : i32
    %dma_start3A_301 = tpu.memref_slice %dma_start3A_297[%dma_start3A_286, %dma_start3A_298, %dma_start3A_299, %dma_start3A_300] : memref<50x4x128x64xf32, #tpu.memory_space<hbm>> -> memref<1x4x128x64xf32, #tpu.memory_space<hbm>>
    %dma_start3A_302 = tpu.memref_squeeze %dma_start3A_301 : memref<1x4x128x64xf32, #tpu.memory_space<hbm>> -> memref<4x128x64xf32, #tpu.memory_space<hbm>>
    %dma_start3A_303 = arith.constant 0 : i32
    %dma_start3A_304 = arith.constant 0 : i32
    %dma_start3A_305 = arith.constant 0 : i32
    %dma_start3A_306 = arith.constant 0 : i32
    %dma_start3A_307 = tpu.memref_slice %arg4[%add3A, %dma_start3A_303, %dma_start3A_304, %dma_start3A_305, %dma_start3A_306] : memref<32x50x4x128x64xf32, #tpu.memory_space<hbm>> -> memref<1x50x4x128x64xf32, #tpu.memory_space<hbm>>
    %dma_start3A_308 = tpu.memref_squeeze %dma_start3A_307 : memref<1x50x4x128x64xf32, #tpu.memory_space<hbm>> -> memref<50x4x128x64xf32, #tpu.memory_space<hbm>>
    %dma_start3A_309 = arith.constant 0 : i32
    %dma_start3A_310 = arith.constant 0 : i32
    %dma_start3A_311 = arith.constant 0 : i32
    %dma_start3A_312 = tpu.memref_slice %dma_start3A_308[%dma_start3A_286, %dma_start3A_309, %dma_start3A_310, %dma_start3A_311] : memref<50x4x128x64xf32, #tpu.memory_space<hbm>> -> memref<1x4x128x64xf32, #tpu.memory_space<hbm>>
    %dma_start3A_313 = tpu.memref_squeeze %dma_start3A_312 : memref<1x4x128x64xf32, #tpu.memory_space<hbm>> -> memref<4x128x64xf32, #tpu.memory_space<hbm>>
    %dma_start3A_314 = arith.constant 0 : i32
    %dma_start3A_315 = arith.constant 0 : i32
    %dma_start3A_316 = arith.constant 0 : i32
    %dma_start3A_317 = tpu.memref_slice %arg6[%dma_start3A_285, %dma_start3A_314, %dma_start3A_315, %dma_start3A_316] : memref<2x4x128x64xf32, #tpu.memory_space<vmem>> -> memref<1x4x128x64xf32, #tpu.memory_space<vmem>>
    %dma_start3A_318 = tpu.memref_squeeze %dma_start3A_317 : memref<1x4x128x64xf32, #tpu.memory_space<vmem>> -> memref<4x128x64xf32, #tpu.memory_space<vmem>>
    tpu.enqueue_dma source(%dma_start3A_318 : memref<4x128x64xf32, #tpu.memory_space<vmem>>) target(%dma_start3A_313 : memref<4x128x64xf32, #tpu.memory_space<hbm>>) target_semaphore(%arg8 : memref<!tpu.dma_semaphore, #tpu.memory_space<semaphore_mem>>)
    %scan3A = arith.constant 0 : i32
    %scan3A_319 = arith.constant 24 : i32
    %scan3A_320 = arith.addi %scan3A, %scan3A_319 : i32
    %scan3A_321 = arith.constant 1 : i32
    scf.for %scan3A_391 = %scan3A to %scan3A_320 step %scan3A_321  : i32 {
      %mul3A_392 = arith.constant 1 : i32
      %mul3A_393 = arith.muli %scan3A_391, %mul3A_392 : i32
      %add3A_394 = arith.constant 1 : i32
      %add3A_395 = arith.addi %add3A_394, %mul3A_393 : i32
      %mul3A_396 = arith.constant 2 : i32
      %mul3A_397 = arith.muli %add3A_395, %mul3A_396 : i32
      %dma_wait3A_398 = arith.constant 0 : i32
      %dma_wait3A_399 = arith.constant 0 : i32
      %dma_wait3A_400 = arith.constant 0 : i32
      %dma_wait3A_401 = arith.constant 0 : i32
      %dma_wait3A_402 = arith.constant 0 : i32
      %dma_wait3A_403 = tpu.memref_slice %arg6[%dma_wait3A_398, %dma_wait3A_400, %dma_wait3A_401, %dma_wait3A_402] : memref<2x4x128x64xf32, #tpu.memory_space<vmem>> -> memref<1x4x128x64xf32, #tpu.memory_space<vmem>>
      %dma_wait3A_404 = tpu.memref_squeeze %dma_wait3A_403 : memref<1x4x128x64xf32, #tpu.memory_space<vmem>> -> memref<4x128x64xf32, #tpu.memory_space<vmem>>
      %dma_wait3A_405 = arith.constant 0 : i32
      %dma_wait3A_406 = arith.constant 0 : i32
      %dma_wait3A_407 = arith.constant 0 : i32
      %dma_wait3A_408 = arith.constant 0 : i32
      %dma_wait3A_409 = tpu.memref_slice %arg4[%add3A, %dma_wait3A_405, %dma_wait3A_406, %dma_wait3A_407, %dma_wait3A_408] : memref<32x50x4x128x64xf32, #tpu.memory_space<hbm>> -> memref<1x50x4x128x64xf32, #tpu.memory_space<hbm>>
      %dma_wait3A_410 = tpu.memref_squeeze %dma_wait3A_409 : memref<1x50x4x128x64xf32, #tpu.memory_space<hbm>> -> memref<50x4x128x64xf32, #tpu.memory_space<hbm>>
      %dma_wait3A_411 = arith.constant 0 : i32
      %dma_wait3A_412 = arith.constant 0 : i32
      %dma_wait3A_413 = arith.constant 0 : i32
      %dma_wait3A_414 = tpu.memref_slice %dma_wait3A_410[%dma_wait3A_399, %dma_wait3A_411, %dma_wait3A_412, %dma_wait3A_413] : memref<50x4x128x64xf32, #tpu.memory_space<hbm>> -> memref<1x4x128x64xf32, #tpu.memory_space<hbm>>
      %dma_wait3A_415 = tpu.memref_squeeze %dma_wait3A_414 : memref<1x4x128x64xf32, #tpu.memory_space<hbm>> -> memref<4x128x64xf32, #tpu.memory_space<hbm>>
      %dma_wait3A_416 = arith.constant 0 : i32
      %dma_wait3A_417 = arith.constant 0 : i32
      %dma_wait3A_418 = arith.constant 0 : i32
      %dma_wait3A_419 = arith.constant 0 : i32
      %dma_wait3A_420 = tpu.memref_slice %arg4[%add3A, %dma_wait3A_416, %dma_wait3A_417, %dma_wait3A_418, %dma_wait3A_419] : memref<32x50x4x128x64xf32, #tpu.memory_space<hbm>> -> memref<1x50x4x128x64xf32, #tpu.memory_space<hbm>>
      %dma_wait3A_421 = tpu.memref_squeeze %dma_wait3A_420 : memref<1x50x4x128x64xf32, #tpu.memory_space<hbm>> -> memref<50x4x128x64xf32, #tpu.memory_space<hbm>>
      %dma_wait3A_422 = arith.constant 0 : i32
      %dma_wait3A_423 = arith.constant 0 : i32
      %dma_wait3A_424 = arith.constant 0 : i32
      %dma_wait3A_425 = tpu.memref_slice %dma_wait3A_421[%dma_wait3A_399, %dma_wait3A_422, %dma_wait3A_423, %dma_wait3A_424] : memref<50x4x128x64xf32, #tpu.memory_space<hbm>> -> memref<1x4x128x64xf32, #tpu.memory_space<hbm>>
      %dma_wait3A_426 = tpu.memref_squeeze %dma_wait3A_425 : memref<1x4x128x64xf32, #tpu.memory_space<hbm>> -> memref<4x128x64xf32, #tpu.memory_space<hbm>>
      %dma_wait3A_427 = arith.constant 0 : i32
      %dma_wait3A_428 = arith.constant 0 : i32
      %dma_wait3A_429 = arith.constant 0 : i32
      %dma_wait3A_430 = tpu.memref_slice %arg6[%dma_wait3A_398, %dma_wait3A_427, %dma_wait3A_428, %dma_wait3A_429] : memref<2x4x128x64xf32, #tpu.memory_space<vmem>> -> memref<1x4x128x64xf32, #tpu.memory_space<vmem>>
      %dma_wait3A_431 = tpu.memref_squeeze %dma_wait3A_430 : memref<1x4x128x64xf32, #tpu.memory_space<vmem>> -> memref<4x128x64xf32, #tpu.memory_space<vmem>>
      tpu.wait_dma2 semaphore(%arg8 : memref<!tpu.dma_semaphore, #tpu.memory_space<semaphore_mem>>) src(%dma_wait3A_431 : memref<4x128x64xf32, #tpu.memory_space<vmem>>) dst(%dma_wait3A_426 : memref<4x128x64xf32, #tpu.memory_space<hbm>>)
      %add3A_432 = arith.constant 0 : i32
      %add3A_433 = arith.addi %mul3A_397, %add3A_432 : i32
      %dma_start3A_434 = arith.constant 0 : i32
      %dma_start3A_435 = arith.constant 0 : i32
      %dma_start3A_436 = arith.constant 0 : i32
      %dma_start3A_437 = arith.constant 0 : i32
      %dma_start3A_438 = arith.constant 0 : i32
      %dma_start3A_439 = arith.constant 0 : i32
      %dma_start3A_440 = tpu.memref_slice %arg6[%dma_start3A_435, %dma_start3A_437, %dma_start3A_438, %dma_start3A_439] : memref<2x4x128x64xf32, #tpu.memory_space<vmem>> -> memref<1x4x128x64xf32, #tpu.memory_space<vmem>>
      %dma_start3A_441 = tpu.memref_squeeze %dma_start3A_440 : memref<1x4x128x64xf32, #tpu.memory_space<vmem>> -> memref<4x128x64xf32, #tpu.memory_space<vmem>>
      %dma_start3A_442 = arith.constant 0 : i32
      %dma_start3A_443 = arith.constant 0 : i32
      %dma_start3A_444 = tpu.memref_slice %dma_start3A_441[%dma_start3A_436, %dma_start3A_442, %dma_start3A_443] : memref<4x128x64xf32, #tpu.memory_space<vmem>> -> memref<1x128x64xf32, #tpu.memory_space<vmem>>
      %dma_start3A_445 = tpu.memref_squeeze %dma_start3A_444 : memref<1x128x64xf32, #tpu.memory_space<vmem>> -> memref<128x64xf32, #tpu.memory_space<vmem>>
      %dma_start3A_446 = arith.constant 0 : i32
      %dma_start3A_447 = arith.constant 0 : i32
      %dma_start3A_448 = tpu.memref_slice %arg5[%add3A_433, %dma_start3A_446, %dma_start3A_447] : memref<50x4x128xi32, #tpu.memory_space<vmem>> -> memref<1x4x128xi32, #tpu.memory_space<vmem>>
      %dma_start3A_449 = tpu.memref_squeeze %dma_start3A_448 : memref<1x4x128xi32, #tpu.memory_space<vmem>> -> memref<4x128xi32, #tpu.memory_space<vmem>>
      %dma_start3A_450 = arith.constant 0 : i32
      %dma_start3A_451 = tpu.memref_slice %dma_start3A_449[%dma_start3A_434, %dma_start3A_450] : memref<4x128xi32, #tpu.memory_space<vmem>> -> memref<1x128xi32, #tpu.memory_space<vmem>>
      %dma_start3A_452 = tpu.memref_squeeze %dma_start3A_451 : memref<1x128xi32, #tpu.memory_space<vmem>> -> memref<128xi32, #tpu.memory_space<vmem>>
      %dma_start3A_453 = arith.constant 0 : i32
      %dma_start3A_454 = arith.constant 0 : i32
      %dma_start3A_455 = tpu.memref_slice %arg3[%dma_start3A_453, %dma_start3A_454] : memref<1000000x64xf32, #tpu.memory_space<hbm>> -> memref<1000000x64xf32, #tpu.memory_space<hbm>>
      tpu.enqueue_indirect_dma source(%dma_start3A_455 : memref<1000000x64xf32, #tpu.memory_space<hbm>>) target(%dma_start3A_445 : memref<128x64xf32, #tpu.memory_space<vmem>>) offsets(%dma_start3A_452 : memref<128xi32, #tpu.memory_space<vmem>>) semaphore(%arg7 : memref<!tpu.dma_semaphore, #tpu.memory_space<semaphore_mem>>)
      %dma_start3A_456 = arith.constant 1 : i32
      %dma_start3A_457 = arith.constant 0 : i32
      %dma_start3A_458 = arith.constant 1 : i32
      %dma_start3A_459 = arith.constant 0 : i32
      %dma_start3A_460 = arith.constant 0 : i32
      %dma_start3A_461 = arith.constant 0 : i32
      %dma_start3A_462 = tpu.memref_slice %arg6[%dma_start3A_457, %dma_start3A_459, %dma_start3A_460, %dma_start3A_461] : memref<2x4x128x64xf32, #tpu.memory_space<vmem>> -> memref<1x4x128x64xf32, #tpu.memory_space<vmem>>
      %dma_start3A_463 = tpu.memref_squeeze %dma_start3A_462 : memref<1x4x128x64xf32, #tpu.memory_space<vmem>> -> memref<4x128x64xf32, #tpu.memory_space<vmem>>
      %dma_start3A_464 = arith.constant 0 : i32
      %dma_start3A_465 = arith.constant 0 : i32
      %dma_start3A_466 = tpu.memref_slice %dma_start3A_463[%dma_start3A_458, %dma_start3A_464, %dma_start3A_465] : memref<4x128x64xf32, #tpu.memory_space<vmem>> -> memref<1x128x64xf32, #tpu.memory_space<vmem>>
      %dma_start3A_467 = tpu.memref_squeeze %dma_start3A_466 : memref<1x128x64xf32, #tpu.memory_space<vmem>> -> memref<128x64xf32, #tpu.memory_space<vmem>>
      %dma_start3A_468 = arith.constant 0 : i32
      %dma_start3A_469 = arith.constant 0 : i32
      %dma_start3A_470 = tpu.memref_slice %arg5[%add3A_433, %dma_start3A_468, %dma_start3A_469] : memref<50x4x128xi32, #tpu.memory_space<vmem>> -> memref<1x4x128xi32, #tpu.memory_space<vmem>>
      %dma_start3A_471 = tpu.memref_squeeze %dma_start3A_470 : memref<1x4x128xi32, #tpu.memory_space<vmem>> -> memref<4x128xi32, #tpu.memory_space<vmem>>
      %dma_start3A_472 = arith.constant 0 : i32
      %dma_start3A_473 = tpu.memref_slice %dma_start3A_471[%dma_start3A_456, %dma_start3A_472] : memref<4x128xi32, #tpu.memory_space<vmem>> -> memref<1x128xi32, #tpu.memory_space<vmem>>
      %dma_start3A_474 = tpu.memref_squeeze %dma_start3A_473 : memref<1x128xi32, #tpu.memory_space<vmem>> -> memref<128xi32, #tpu.memory_space<vmem>>
      %dma_start3A_475 = arith.constant 0 : i32
      %dma_start3A_476 = arith.constant 0 : i32
      %dma_start3A_477 = tpu.memref_slice %arg3[%dma_start3A_475, %dma_start3A_476] : memref<1000000x64xf32, #tpu.memory_space<hbm>> -> memref<1000000x64xf32, #tpu.memory_space<hbm>>
      tpu.enqueue_indirect_dma source(%dma_start3A_477 : memref<1000000x64xf32, #tpu.memory_space<hbm>>) target(%dma_start3A_467 : memref<128x64xf32, #tpu.memory_space<vmem>>) offsets(%dma_start3A_474 : memref<128xi32, #tpu.memory_space<vmem>>) semaphore(%arg7 : memref<!tpu.dma_semaphore, #tpu.memory_space<semaphore_mem>>)
      %dma_start3A_478 = arith.constant 2 : i32
      %dma_start3A_479 = arith.constant 0 : i32
      %dma_start3A_480 = arith.constant 2 : i32
      %dma_start3A_481 = arith.constant 0 : i32
      %dma_start3A_482 = arith.constant 0 : i32
      %dma_start3A_483 = arith.constant 0 : i32
      %dma_start3A_484 = tpu.memref_slice %arg6[%dma_start3A_479, %dma_start3A_481, %dma_start3A_482, %dma_start3A_483] : memref<2x4x128x64xf32, #tpu.memory_space<vmem>> -> memref<1x4x128x64xf32, #tpu.memory_space<vmem>>
      %dma_start3A_485 = tpu.memref_squeeze %dma_start3A_484 : memref<1x4x128x64xf32, #tpu.memory_space<vmem>> -> memref<4x128x64xf32, #tpu.memory_space<vmem>>
      %dma_start3A_486 = arith.constant 0 : i32
      %dma_start3A_487 = arith.constant 0 : i32
      %dma_start3A_488 = tpu.memref_slice %dma_start3A_485[%dma_start3A_480, %dma_start3A_486, %dma_start3A_487] : memref<4x128x64xf32, #tpu.memory_space<vmem>> -> memref<1x128x64xf32, #tpu.memory_space<vmem>>
      %dma_start3A_489 = tpu.memref_squeeze %dma_start3A_488 : memref<1x128x64xf32, #tpu.memory_space<vmem>> -> memref<128x64xf32, #tpu.memory_space<vmem>>
      %dma_start3A_490 = arith.constant 0 : i32
      %dma_start3A_491 = arith.constant 0 : i32
      %dma_start3A_492 = tpu.memref_slice %arg5[%add3A_433, %dma_start3A_490, %dma_start3A_491] : memref<50x4x128xi32, #tpu.memory_space<vmem>> -> memref<1x4x128xi32, #tpu.memory_space<vmem>>
      %dma_start3A_493 = tpu.memref_squeeze %dma_start3A_492 : memref<1x4x128xi32, #tpu.memory_space<vmem>> -> memref<4x128xi32, #tpu.memory_space<vmem>>
      %dma_start3A_494 = arith.constant 0 : i32
      %dma_start3A_495 = tpu.memref_slice %dma_start3A_493[%dma_start3A_478, %dma_start3A_494] : memref<4x128xi32, #tpu.memory_space<vmem>> -> memref<1x128xi32, #tpu.memory_space<vmem>>
      %dma_start3A_496 = tpu.memref_squeeze %dma_start3A_495 : memref<1x128xi32, #tpu.memory_space<vmem>> -> memref<128xi32, #tpu.memory_space<vmem>>
      %dma_start3A_497 = arith.constant 0 : i32
      %dma_start3A_498 = arith.constant 0 : i32
      %dma_start3A_499 = tpu.memref_slice %arg3[%dma_start3A_497, %dma_start3A_498] : memref<1000000x64xf32, #tpu.memory_space<hbm>> -> memref<1000000x64xf32, #tpu.memory_space<hbm>>
      tpu.enqueue_indirect_dma source(%dma_start3A_499 : memref<1000000x64xf32, #tpu.memory_space<hbm>>) target(%dma_start3A_489 : memref<128x64xf32, #tpu.memory_space<vmem>>) offsets(%dma_start3A_496 : memref<128xi32, #tpu.memory_space<vmem>>) semaphore(%arg7 : memref<!tpu.dma_semaphore, #tpu.memory_space<semaphore_mem>>)
      %dma_start3A_500 = arith.constant 3 : i32
      %dma_start3A_501 = arith.constant 0 : i32
      %dma_start3A_502 = arith.constant 3 : i32
      %dma_start3A_503 = arith.constant 0 : i32
      %dma_start3A_504 = arith.constant 0 : i32
      %dma_start3A_505 = arith.constant 0 : i32
      %dma_start3A_506 = tpu.memref_slice %arg6[%dma_start3A_501, %dma_start3A_503, %dma_start3A_504, %dma_start3A_505] : memref<2x4x128x64xf32, #tpu.memory_space<vmem>> -> memref<1x4x128x64xf32, #tpu.memory_space<vmem>>
      %dma_start3A_507 = tpu.memref_squeeze %dma_start3A_506 : memref<1x4x128x64xf32, #tpu.memory_space<vmem>> -> memref<4x128x64xf32, #tpu.memory_space<vmem>>
      %dma_start3A_508 = arith.constant 0 : i32
      %dma_start3A_509 = arith.constant 0 : i32
      %dma_start3A_510 = tpu.memref_slice %dma_start3A_507[%dma_start3A_502, %dma_start3A_508, %dma_start3A_509] : memref<4x128x64xf32, #tpu.memory_space<vmem>> -> memref<1x128x64xf32, #tpu.memory_space<vmem>>
      %dma_start3A_511 = tpu.memref_squeeze %dma_start3A_510 : memref<1x128x64xf32, #tpu.memory_space<vmem>> -> memref<128x64xf32, #tpu.memory_space<vmem>>
      %dma_start3A_512 = arith.constant 0 : i32
      %dma_start3A_513 = arith.constant 0 : i32
      %dma_start3A_514 = tpu.memref_slice %arg5[%add3A_433, %dma_start3A_512, %dma_start3A_513] : memref<50x4x128xi32, #tpu.memory_space<vmem>> -> memref<1x4x128xi32, #tpu.memory_space<vmem>>
      %dma_start3A_515 = tpu.memref_squeeze %dma_start3A_514 : memref<1x4x128xi32, #tpu.memory_space<vmem>> -> memref<4x128xi32, #tpu.memory_space<vmem>>
      %dma_start3A_516 = arith.constant 0 : i32
      %dma_start3A_517 = tpu.memref_slice %dma_start3A_515[%dma_start3A_500, %dma_start3A_516] : memref<4x128xi32, #tpu.memory_space<vmem>> -> memref<1x128xi32, #tpu.memory_space<vmem>>
      %dma_start3A_518 = tpu.memref_squeeze %dma_start3A_517 : memref<1x128xi32, #tpu.memory_space<vmem>> -> memref<128xi32, #tpu.memory_space<vmem>>
      %dma_start3A_519 = arith.constant 0 : i32
      %dma_start3A_520 = arith.constant 0 : i32
      %dma_start3A_521 = tpu.memref_slice %arg3[%dma_start3A_519, %dma_start3A_520] : memref<1000000x64xf32, #tpu.memory_space<hbm>> -> memref<1000000x64xf32, #tpu.memory_space<hbm>>
      tpu.enqueue_indirect_dma source(%dma_start3A_521 : memref<1000000x64xf32, #tpu.memory_space<hbm>>) target(%dma_start3A_511 : memref<128x64xf32, #tpu.memory_space<vmem>>) offsets(%dma_start3A_518 : memref<128xi32, #tpu.memory_space<vmem>>) semaphore(%arg7 : memref<!tpu.dma_semaphore, #tpu.memory_space<semaphore_mem>>)
      %dma_wait3A_522 = arith.constant 1 : i32
      %dma_wait3A_523 = arith.constant 0 : i32
      %dma_wait3A_524 = arith.constant 0 : i32
      %dma_wait3A_525 = arith.constant 0 : i32
      %dma_wait3A_526 = arith.constant 0 : i32
      %dma_wait3A_527 = tpu.memref_slice %arg6[%dma_wait3A_522, %dma_wait3A_524, %dma_wait3A_525, %dma_wait3A_526] : memref<2x4x128x64xf32, #tpu.memory_space<vmem>> -> memref<1x4x128x64xf32, #tpu.memory_space<vmem>>
      %dma_wait3A_528 = tpu.memref_squeeze %dma_wait3A_527 : memref<1x4x128x64xf32, #tpu.memory_space<vmem>> -> memref<4x128x64xf32, #tpu.memory_space<vmem>>
      %dma_wait3A_529 = arith.constant 0 : i32
      %dma_wait3A_530 = arith.constant 0 : i32
      %dma_wait3A_531 = arith.constant 0 : i32
      %dma_wait3A_532 = arith.constant 0 : i32
      %dma_wait3A_533 = tpu.memref_slice %arg4[%add3A, %dma_wait3A_529, %dma_wait3A_530, %dma_wait3A_531, %dma_wait3A_532] : memref<32x50x4x128x64xf32, #tpu.memory_space<hbm>> -> memref<1x50x4x128x64xf32, #tpu.memory_space<hbm>>
      %dma_wait3A_534 = tpu.memref_squeeze %dma_wait3A_533 : memref<1x50x4x128x64xf32, #tpu.memory_space<hbm>> -> memref<50x4x128x64xf32, #tpu.memory_space<hbm>>
      %dma_wait3A_535 = arith.constant 0 : i32
      %dma_wait3A_536 = arith.constant 0 : i32
      %dma_wait3A_537 = arith.constant 0 : i32
      %dma_wait3A_538 = tpu.memref_slice %dma_wait3A_534[%dma_wait3A_523, %dma_wait3A_535, %dma_wait3A_536, %dma_wait3A_537] : memref<50x4x128x64xf32, #tpu.memory_space<hbm>> -> memref<1x4x128x64xf32, #tpu.memory_space<hbm>>
      %dma_wait3A_539 = tpu.memref_squeeze %dma_wait3A_538 : memref<1x4x128x64xf32, #tpu.memory_space<hbm>> -> memref<4x128x64xf32, #tpu.memory_space<hbm>>
      %dma_wait3A_540 = arith.constant 0 : i32
      %dma_wait3A_541 = arith.constant 0 : i32
      %dma_wait3A_542 = arith.constant 0 : i32
      %dma_wait3A_543 = arith.constant 0 : i32
      %dma_wait3A_544 = tpu.memref_slice %arg4[%add3A, %dma_wait3A_540, %dma_wait3A_541, %dma_wait3A_542, %dma_wait3A_543] : memref<32x50x4x128x64xf32, #tpu.memory_space<hbm>> -> memref<1x50x4x128x64xf32, #tpu.memory_space<hbm>>
      %dma_wait3A_545 = tpu.memref_squeeze %dma_wait3A_544 : memref<1x50x4x128x64xf32, #tpu.memory_space<hbm>> -> memref<50x4x128x64xf32, #tpu.memory_space<hbm>>
      %dma_wait3A_546 = arith.constant 0 : i32
      %dma_wait3A_547 = arith.constant 0 : i32
      %dma_wait3A_548 = arith.constant 0 : i32
      %dma_wait3A_549 = tpu.memref_slice %dma_wait3A_545[%dma_wait3A_523, %dma_wait3A_546, %dma_wait3A_547, %dma_wait3A_548] : memref<50x4x128x64xf32, #tpu.memory_space<hbm>> -> memref<1x4x128x64xf32, #tpu.memory_space<hbm>>
      %dma_wait3A_550 = tpu.memref_squeeze %dma_wait3A_549 : memref<1x4x128x64xf32, #tpu.memory_space<hbm>> -> memref<4x128x64xf32, #tpu.memory_space<hbm>>
      %dma_wait3A_551 = arith.constant 0 : i32
      %dma_wait3A_552 = arith.constant 0 : i32
      %dma_wait3A_553 = arith.constant 0 : i32
      %dma_wait3A_554 = tpu.memref_slice %arg6[%dma_wait3A_522, %dma_wait3A_551, %dma_wait3A_552, %dma_wait3A_553] : memref<2x4x128x64xf32, #tpu.memory_space<vmem>> -> memref<1x4x128x64xf32, #tpu.memory_space<vmem>>
      %dma_wait3A_555 = tpu.memref_squeeze %dma_wait3A_554 : memref<1x4x128x64xf32, #tpu.memory_space<vmem>> -> memref<4x128x64xf32, #tpu.memory_space<vmem>>
      tpu.wait_dma2 semaphore(%arg8 : memref<!tpu.dma_semaphore, #tpu.memory_space<semaphore_mem>>) src(%dma_wait3A_555 : memref<4x128x64xf32, #tpu.memory_space<vmem>>) dst(%dma_wait3A_550 : memref<4x128x64xf32, #tpu.memory_space<hbm>>)
      %add3A_556 = arith.constant 1 : i32
      %add3A_557 = arith.addi %mul3A_397, %add3A_556 : i32
      %dma_start3A_558 = arith.constant 0 : i32
      %dma_start3A_559 = arith.constant 1 : i32
      %dma_start3A_560 = arith.constant 0 : i32
      %dma_start3A_561 = arith.constant 0 : i32
      %dma_start3A_562 = arith.constant 0 : i32
      %dma_start3A_563 = arith.constant 0 : i32
      %dma_start3A_564 = tpu.memref_slice %arg6[%dma_start3A_559, %dma_start3A_561, %dma_start3A_562, %dma_start3A_563] : memref<2x4x128x64xf32, #tpu.memory_space<vmem>> -> memref<1x4x128x64xf32, #tpu.memory_space<vmem>>
      %dma_start3A_565 = tpu.memref_squeeze %dma_start3A_564 : memref<1x4x128x64xf32, #tpu.memory_space<vmem>> -> memref<4x128x64xf32, #tpu.memory_space<vmem>>
      %dma_start3A_566 = arith.constant 0 : i32
      %dma_start3A_567 = arith.constant 0 : i32
      %dma_start3A_568 = tpu.memref_slice %dma_start3A_565[%dma_start3A_560, %dma_start3A_566, %dma_start3A_567] : memref<4x128x64xf32, #tpu.memory_space<vmem>> -> memref<1x128x64xf32, #tpu.memory_space<vmem>>
      %dma_start3A_569 = tpu.memref_squeeze %dma_start3A_568 : memref<1x128x64xf32, #tpu.memory_space<vmem>> -> memref<128x64xf32, #tpu.memory_space<vmem>>
      %dma_start3A_570 = arith.constant 0 : i32
      %dma_start3A_571 = arith.constant 0 : i32
      %dma_start3A_572 = tpu.memref_slice %arg5[%add3A_557, %dma_start3A_570, %dma_start3A_571] : memref<50x4x128xi32, #tpu.memory_space<vmem>> -> memref<1x4x128xi32, #tpu.memory_space<vmem>>
      %dma_start3A_573 = tpu.memref_squeeze %dma_start3A_572 : memref<1x4x128xi32, #tpu.memory_space<vmem>> -> memref<4x128xi32, #tpu.memory_space<vmem>>
      %dma_start3A_574 = arith.constant 0 : i32
      %dma_start3A_575 = tpu.memref_slice %dma_start3A_573[%dma_start3A_558, %dma_start3A_574] : memref<4x128xi32, #tpu.memory_space<vmem>> -> memref<1x128xi32, #tpu.memory_space<vmem>>
      %dma_start3A_576 = tpu.memref_squeeze %dma_start3A_575 : memref<1x128xi32, #tpu.memory_space<vmem>> -> memref<128xi32, #tpu.memory_space<vmem>>
      %dma_start3A_577 = arith.constant 0 : i32
      %dma_start3A_578 = arith.constant 0 : i32
      %dma_start3A_579 = tpu.memref_slice %arg3[%dma_start3A_577, %dma_start3A_578] : memref<1000000x64xf32, #tpu.memory_space<hbm>> -> memref<1000000x64xf32, #tpu.memory_space<hbm>>
      tpu.enqueue_indirect_dma source(%dma_start3A_579 : memref<1000000x64xf32, #tpu.memory_space<hbm>>) target(%dma_start3A_569 : memref<128x64xf32, #tpu.memory_space<vmem>>) offsets(%dma_start3A_576 : memref<128xi32, #tpu.memory_space<vmem>>) semaphore(%arg7 : memref<!tpu.dma_semaphore, #tpu.memory_space<semaphore_mem>>)
      %dma_start3A_580 = arith.constant 1 : i32
      %dma_start3A_581 = arith.constant 1 : i32
      %dma_start3A_582 = arith.constant 1 : i32
      %dma_start3A_583 = arith.constant 0 : i32
      %dma_start3A_584 = arith.constant 0 : i32
      %dma_start3A_585 = arith.constant 0 : i32
      %dma_start3A_586 = tpu.memref_slice %arg6[%dma_start3A_581, %dma_start3A_583, %dma_start3A_584, %dma_start3A_585] : memref<2x4x128x64xf32, #tpu.memory_space<vmem>> -> memref<1x4x128x64xf32, #tpu.memory_space<vmem>>
      %dma_start3A_587 = tpu.memref_squeeze %dma_start3A_586 : memref<1x4x128x64xf32, #tpu.memory_space<vmem>> -> memref<4x128x64xf32, #tpu.memory_space<vmem>>
      %dma_start3A_588 = arith.constant 0 : i32
      %dma_start3A_589 = arith.constant 0 : i32
      %dma_start3A_590 = tpu.memref_slice %dma_start3A_587[%dma_start3A_582, %dma_start3A_588, %dma_start3A_589] : memref<4x128x64xf32, #tpu.memory_space<vmem>> -> memref<1x128x64xf32, #tpu.memory_space<vmem>>
      %dma_start3A_591 = tpu.memref_squeeze %dma_start3A_590 : memref<1x128x64xf32, #tpu.memory_space<vmem>> -> memref<128x64xf32, #tpu.memory_space<vmem>>
      %dma_start3A_592 = arith.constant 0 : i32
      %dma_start3A_593 = arith.constant 0 : i32
      %dma_start3A_594 = tpu.memref_slice %arg5[%add3A_557, %dma_start3A_592, %dma_start3A_593] : memref<50x4x128xi32, #tpu.memory_space<vmem>> -> memref<1x4x128xi32, #tpu.memory_space<vmem>>
      %dma_start3A_595 = tpu.memref_squeeze %dma_start3A_594 : memref<1x4x128xi32, #tpu.memory_space<vmem>> -> memref<4x128xi32, #tpu.memory_space<vmem>>
      %dma_start3A_596 = arith.constant 0 : i32
      %dma_start3A_597 = tpu.memref_slice %dma_start3A_595[%dma_start3A_580, %dma_start3A_596] : memref<4x128xi32, #tpu.memory_space<vmem>> -> memref<1x128xi32, #tpu.memory_space<vmem>>
      %dma_start3A_598 = tpu.memref_squeeze %dma_start3A_597 : memref<1x128xi32, #tpu.memory_space<vmem>> -> memref<128xi32, #tpu.memory_space<vmem>>
      %dma_start3A_599 = arith.constant 0 : i32
      %dma_start3A_600 = arith.constant 0 : i32
      %dma_start3A_601 = tpu.memref_slice %arg3[%dma_start3A_599, %dma_start3A_600] : memref<1000000x64xf32, #tpu.memory_space<hbm>> -> memref<1000000x64xf32, #tpu.memory_space<hbm>>
      tpu.enqueue_indirect_dma source(%dma_start3A_601 : memref<1000000x64xf32, #tpu.memory_space<hbm>>) target(%dma_start3A_591 : memref<128x64xf32, #tpu.memory_space<vmem>>) offsets(%dma_start3A_598 : memref<128xi32, #tpu.memory_space<vmem>>) semaphore(%arg7 : memref<!tpu.dma_semaphore, #tpu.memory_space<semaphore_mem>>)
      %dma_start3A_602 = arith.constant 2 : i32
      %dma_start3A_603 = arith.constant 1 : i32
      %dma_start3A_604 = arith.constant 2 : i32
      %dma_start3A_605 = arith.constant 0 : i32
      %dma_start3A_606 = arith.constant 0 : i32
      %dma_start3A_607 = arith.constant 0 : i32
      %dma_start3A_608 = tpu.memref_slice %arg6[%dma_start3A_603, %dma_start3A_605, %dma_start3A_606, %dma_start3A_607] : memref<2x4x128x64xf32, #tpu.memory_space<vmem>> -> memref<1x4x128x64xf32, #tpu.memory_space<vmem>>
      %dma_start3A_609 = tpu.memref_squeeze %dma_start3A_608 : memref<1x4x128x64xf32, #tpu.memory_space<vmem>> -> memref<4x128x64xf32, #tpu.memory_space<vmem>>
      %dma_start3A_610 = arith.constant 0 : i32
      %dma_start3A_611 = arith.constant 0 : i32
      %dma_start3A_612 = tpu.memref_slice %dma_start3A_609[%dma_start3A_604, %dma_start3A_610, %dma_start3A_611] : memref<4x128x64xf32, #tpu.memory_space<vmem>> -> memref<1x128x64xf32, #tpu.memory_space<vmem>>
      %dma_start3A_613 = tpu.memref_squeeze %dma_start3A_612 : memref<1x128x64xf32, #tpu.memory_space<vmem>> -> memref<128x64xf32, #tpu.memory_space<vmem>>
      %dma_start3A_614 = arith.constant 0 : i32
      %dma_start3A_615 = arith.constant 0 : i32
      %dma_start3A_616 = tpu.memref_slice %arg5[%add3A_557, %dma_start3A_614, %dma_start3A_615] : memref<50x4x128xi32, #tpu.memory_space<vmem>> -> memref<1x4x128xi32, #tpu.memory_space<vmem>>
      %dma_start3A_617 = tpu.memref_squeeze %dma_start3A_616 : memref<1x4x128xi32, #tpu.memory_space<vmem>> -> memref<4x128xi32, #tpu.memory_space<vmem>>
      %dma_start3A_618 = arith.constant 0 : i32
      %dma_start3A_619 = tpu.memref_slice %dma_start3A_617[%dma_start3A_602, %dma_start3A_618] : memref<4x128xi32, #tpu.memory_space<vmem>> -> memref<1x128xi32, #tpu.memory_space<vmem>>
      %dma_start3A_620 = tpu.memref_squeeze %dma_start3A_619 : memref<1x128xi32, #tpu.memory_space<vmem>> -> memref<128xi32, #tpu.memory_space<vmem>>
      %dma_start3A_621 = arith.constant 0 : i32
      %dma_start3A_622 = arith.constant 0 : i32
      %dma_start3A_623 = tpu.memref_slice %arg3[%dma_start3A_621, %dma_start3A_622] : memref<1000000x64xf32, #tpu.memory_space<hbm>> -> memref<1000000x64xf32, #tpu.memory_space<hbm>>
      tpu.enqueue_indirect_dma source(%dma_start3A_623 : memref<1000000x64xf32, #tpu.memory_space<hbm>>) target(%dma_start3A_613 : memref<128x64xf32, #tpu.memory_space<vmem>>) offsets(%dma_start3A_620 : memref<128xi32, #tpu.memory_space<vmem>>) semaphore(%arg7 : memref<!tpu.dma_semaphore, #tpu.memory_space<semaphore_mem>>)
      %dma_start3A_624 = arith.constant 3 : i32
      %dma_start3A_625 = arith.constant 1 : i32
      %dma_start3A_626 = arith.constant 3 : i32
      %dma_start3A_627 = arith.constant 0 : i32
      %dma_start3A_628 = arith.constant 0 : i32
      %dma_start3A_629 = arith.constant 0 : i32
      %dma_start3A_630 = tpu.memref_slice %arg6[%dma_start3A_625, %dma_start3A_627, %dma_start3A_628, %dma_start3A_629] : memref<2x4x128x64xf32, #tpu.memory_space<vmem>> -> memref<1x4x128x64xf32, #tpu.memory_space<vmem>>
      %dma_start3A_631 = tpu.memref_squeeze %dma_start3A_630 : memref<1x4x128x64xf32, #tpu.memory_space<vmem>> -> memref<4x128x64xf32, #tpu.memory_space<vmem>>
      %dma_start3A_632 = arith.constant 0 : i32
      %dma_start3A_633 = arith.constant 0 : i32
      %dma_start3A_634 = tpu.memref_slice %dma_start3A_631[%dma_start3A_626, %dma_start3A_632, %dma_start3A_633] : memref<4x128x64xf32, #tpu.memory_space<vmem>> -> memref<1x128x64xf32, #tpu.memory_space<vmem>>
      %dma_start3A_635 = tpu.memref_squeeze %dma_start3A_634 : memref<1x128x64xf32, #tpu.memory_space<vmem>> -> memref<128x64xf32, #tpu.memory_space<vmem>>
      %dma_start3A_636 = arith.constant 0 : i32
      %dma_start3A_637 = arith.constant 0 : i32
      %dma_start3A_638 = tpu.memref_slice %arg5[%add3A_557, %dma_start3A_636, %dma_start3A_637] : memref<50x4x128xi32, #tpu.memory_space<vmem>> -> memref<1x4x128xi32, #tpu.memory_space<vmem>>
      %dma_start3A_639 = tpu.memref_squeeze %dma_start3A_638 : memref<1x4x128xi32, #tpu.memory_space<vmem>> -> memref<4x128xi32, #tpu.memory_space<vmem>>
      %dma_start3A_640 = arith.constant 0 : i32
      %dma_start3A_641 = tpu.memref_slice %dma_start3A_639[%dma_start3A_624, %dma_start3A_640] : memref<4x128xi32, #tpu.memory_space<vmem>> -> memref<1x128xi32, #tpu.memory_space<vmem>>
      %dma_start3A_642 = tpu.memref_squeeze %dma_start3A_641 : memref<1x128xi32, #tpu.memory_space<vmem>> -> memref<128xi32, #tpu.memory_space<vmem>>
      %dma_start3A_643 = arith.constant 0 : i32
      %dma_start3A_644 = arith.constant 0 : i32
      %dma_start3A_645 = tpu.memref_slice %arg3[%dma_start3A_643, %dma_start3A_644] : memref<1000000x64xf32, #tpu.memory_space<hbm>> -> memref<1000000x64xf32, #tpu.memory_space<hbm>>
      tpu.enqueue_indirect_dma source(%dma_start3A_645 : memref<1000000x64xf32, #tpu.memory_space<hbm>>) target(%dma_start3A_635 : memref<128x64xf32, #tpu.memory_space<vmem>>) offsets(%dma_start3A_642 : memref<128xi32, #tpu.memory_space<vmem>>) semaphore(%arg7 : memref<!tpu.dma_semaphore, #tpu.memory_space<semaphore_mem>>)
      %dma_wait3A_646 = arith.constant 0 : i32
      %dma_wait3A_647 = arith.constant 0 : i32
      %dma_wait3A_648 = arith.constant 0 : i32
      %dma_wait3A_649 = arith.constant 0 : i32
      %dma_wait3A_650 = arith.constant 0 : i32
      %dma_wait3A_651 = tpu.memref_slice %arg6[%dma_wait3A_647, %dma_wait3A_648, %dma_wait3A_649, %dma_wait3A_650] : memref<2x4x128x64xf32, #tpu.memory_space<vmem>> -> memref<1x4x128x64xf32, #tpu.memory_space<vmem>>
      %dma_wait3A_652 = tpu.memref_squeeze %dma_wait3A_651 : memref<1x4x128x64xf32, #tpu.memory_space<vmem>> -> memref<4x128x64xf32, #tpu.memory_space<vmem>>
      %dma_wait3A_653 = arith.constant 0 : i32
      %dma_wait3A_654 = arith.constant 0 : i32
      %dma_wait3A_655 = arith.constant 0 : i32
      %dma_wait3A_656 = arith.constant 0 : i32
      %dma_wait3A_657 = tpu.memref_slice %arg4[%add3A, %dma_wait3A_653, %dma_wait3A_654, %dma_wait3A_655, %dma_wait3A_656] : memref<32x50x4x128x64xf32, #tpu.memory_space<hbm>> -> memref<1x50x4x128x64xf32, #tpu.memory_space<hbm>>
      %dma_wait3A_658 = tpu.memref_squeeze %dma_wait3A_657 : memref<1x50x4x128x64xf32, #tpu.memory_space<hbm>> -> memref<50x4x128x64xf32, #tpu.memory_space<hbm>>
      %dma_wait3A_659 = arith.constant 0 : i32
      %dma_wait3A_660 = arith.constant 0 : i32
      %dma_wait3A_661 = arith.constant 0 : i32
      %dma_wait3A_662 = tpu.memref_slice %dma_wait3A_658[%dma_wait3A_646, %dma_wait3A_659, %dma_wait3A_660, %dma_wait3A_661] : memref<50x4x128x64xf32, #tpu.memory_space<hbm>> -> memref<1x4x128x64xf32, #tpu.memory_space<hbm>>
      %dma_wait3A_663 = tpu.memref_squeeze %dma_wait3A_662 : memref<1x4x128x64xf32, #tpu.memory_space<hbm>> -> memref<4x128x64xf32, #tpu.memory_space<hbm>>
      %dma_wait3A_664 = arith.constant 0 : i32
      %dma_wait3A_665 = arith.constant 0 : i32
      %dma_wait3A_666 = arith.constant 0 : i32
      %dma_wait3A_667 = tpu.memref_slice %arg6[%dma_wait3A_647, %dma_wait3A_664, %dma_wait3A_665, %dma_wait3A_666] : memref<2x4x128x64xf32, #tpu.memory_space<vmem>> -> memref<1x4x128x64xf32, #tpu.memory_space<vmem>>
      %dma_wait3A_668 = tpu.memref_squeeze %dma_wait3A_667 : memref<1x4x128x64xf32, #tpu.memory_space<vmem>> -> memref<4x128x64xf32, #tpu.memory_space<vmem>>
      %dma_wait3A_669 = arith.constant 0 : i32
      %dma_wait3A_670 = arith.constant 0 : i32
      %dma_wait3A_671 = arith.constant 0 : i32
      %dma_wait3A_672 = arith.constant 0 : i32
      %dma_wait3A_673 = tpu.memref_slice %arg4[%add3A, %dma_wait3A_669, %dma_wait3A_670, %dma_wait3A_671, %dma_wait3A_672] : memref<32x50x4x128x64xf32, #tpu.memory_space<hbm>> -> memref<1x50x4x128x64xf32, #tpu.memory_space<hbm>>
      %dma_wait3A_674 = tpu.memref_squeeze %dma_wait3A_673 : memref<1x50x4x128x64xf32, #tpu.memory_space<hbm>> -> memref<50x4x128x64xf32, #tpu.memory_space<hbm>>
      %dma_wait3A_675 = arith.constant 0 : i32
      %dma_wait3A_676 = arith.constant 0 : i32
      %dma_wait3A_677 = arith.constant 0 : i32
      %dma_wait3A_678 = tpu.memref_slice %dma_wait3A_674[%dma_wait3A_646, %dma_wait3A_675, %dma_wait3A_676, %dma_wait3A_677] : memref<50x4x128x64xf32, #tpu.memory_space<hbm>> -> memref<1x4x128x64xf32, #tpu.memory_space<hbm>>
      %dma_wait3A_679 = tpu.memref_squeeze %dma_wait3A_678 : memref<1x4x128x64xf32, #tpu.memory_space<hbm>> -> memref<4x128x64xf32, #tpu.memory_space<hbm>>
      tpu.wait_dma2 semaphore(%arg7 : memref<!tpu.dma_semaphore, #tpu.memory_space<semaphore_mem>>) src(%dma_wait3A_679 : memref<4x128x64xf32, #tpu.memory_space<hbm>>) dst(%dma_wait3A_668 : memref<4x128x64xf32, #tpu.memory_space<vmem>>)
      %add3A_680 = arith.constant 0 : i32
      %add3A_681 = arith.addi %mul3A_397, %add3A_680 : i32
      %dma_start3A_682 = arith.constant 0 : i32
      %dma_start3A_683 = arith.constant 0 : i32
      %dma_start3A_684 = arith.constant 0 : i32
      %dma_start3A_685 = arith.constant 0 : i32
      %dma_start3A_686 = tpu.memref_slice %arg6[%dma_start3A_682, %dma_start3A_683, %dma_start3A_684, %dma_start3A_685] : memref<2x4x128x64xf32, #tpu.memory_space<vmem>> -> memref<1x4x128x64xf32, #tpu.memory_space<vmem>>
      %dma_start3A_687 = tpu.memref_squeeze %dma_start3A_686 : memref<1x4x128x64xf32, #tpu.memory_space<vmem>> -> memref<4x128x64xf32, #tpu.memory_space<vmem>>
      %dma_start3A_688 = arith.constant 0 : i32
      %dma_start3A_689 = arith.constant 0 : i32
      %dma_start3A_690 = arith.constant 0 : i32
      %dma_start3A_691 = arith.constant 0 : i32
      %dma_start3A_692 = tpu.memref_slice %arg4[%add3A, %dma_start3A_688, %dma_start3A_689, %dma_start3A_690, %dma_start3A_691] : memref<32x50x4x128x64xf32, #tpu.memory_space<hbm>> -> memref<1x50x4x128x64xf32, #tpu.memory_space<hbm>>
      %dma_start3A_693 = tpu.memref_squeeze %dma_start3A_692 : memref<1x50x4x128x64xf32, #tpu.memory_space<hbm>> -> memref<50x4x128x64xf32, #tpu.memory_space<hbm>>
      %dma_start3A_694 = arith.constant 0 : i32
      %dma_start3A_695 = arith.constant 0 : i32
      %dma_start3A_696 = arith.constant 0 : i32
      %dma_start3A_697 = tpu.memref_slice %dma_start3A_693[%add3A_681, %dma_start3A_694, %dma_start3A_695, %dma_start3A_696] : memref<50x4x128x64xf32, #tpu.memory_space<hbm>> -> memref<1x4x128x64xf32, #tpu.memory_space<hbm>>
      %dma_start3A_698 = tpu.memref_squeeze %dma_start3A_697 : memref<1x4x128x64xf32, #tpu.memory_space<hbm>> -> memref<4x128x64xf32, #tpu.memory_space<hbm>>
      %dma_start3A_699 = arith.constant 0 : i32
      %dma_start3A_700 = arith.constant 0 : i32
      %dma_start3A_701 = arith.constant 0 : i32
      %dma_start3A_702 = arith.constant 0 : i32
      %dma_start3A_703 = tpu.memref_slice %arg4[%add3A, %dma_start3A_699, %dma_start3A_700, %dma_start3A_701, %dma_start3A_702] : memref<32x50x4x128x64xf32, #tpu.memory_space<hbm>> -> memref<1x50x4x128x64xf32, #tpu.memory_space<hbm>>
      %dma_start3A_704 = tpu.memref_squeeze %dma_start3A_703 : memref<1x50x4x128x64xf32, #tpu.memory_space<hbm>> -> memref<50x4x128x64xf32, #tpu.memory_space<hbm>>
      %dma_start3A_705 = arith.constant 0 : i32
      %dma_start3A_706 = arith.constant 0 : i32
      %dma_start3A_707 = arith.constant 0 : i32
      %dma_start3A_708 = tpu.memref_slice %dma_start3A_704[%add3A_681, %dma_start3A_705, %dma_start3A_706, %dma_start3A_707] : memref<50x4x128x64xf32, #tpu.memory_space<hbm>> -> memref<1x4x128x64xf32, #tpu.memory_space<hbm>>
      %dma_start3A_709 = tpu.memref_squeeze %dma_start3A_708 : memref<1x4x128x64xf32, #tpu.memory_space<hbm>> -> memref<4x128x64xf32, #tpu.memory_space<hbm>>
      %dma_start3A_710 = arith.constant 0 : i32
      %dma_start3A_711 = arith.constant 0 : i32
      %dma_start3A_712 = arith.constant 0 : i32
      %dma_start3A_713 = tpu.memref_slice %arg6[%dma_start3A_682, %dma_start3A_710, %dma_start3A_711, %dma_start3A_712] : memref<2x4x128x64xf32, #tpu.memory_space<vmem>> -> memref<1x4x128x64xf32, #tpu.memory_space<vmem>>
      %dma_start3A_714 = tpu.memref_squeeze %dma_start3A_713 : memref<1x4x128x64xf32, #tpu.memory_space<vmem>> -> memref<4x128x64xf32, #tpu.memory_space<vmem>>
      tpu.enqueue_dma source(%dma_start3A_714 : memref<4x128x64xf32, #tpu.memory_space<vmem>>) target(%dma_start3A_709 : memref<4x128x64xf32, #tpu.memory_space<hbm>>) target_semaphore(%arg8 : memref<!tpu.dma_semaphore, #tpu.memory_space<semaphore_mem>>)
      %dma_wait3A_715 = arith.constant 0 : i32
      %dma_wait3A_716 = arith.constant 1 : i32
      %dma_wait3A_717 = arith.constant 0 : i32
      %dma_wait3A_718 = arith.constant 0 : i32
      %dma_wait3A_719 = arith.constant 0 : i32
      %dma_wait3A_720 = tpu.memref_slice %arg6[%dma_wait3A_716, %dma_wait3A_717, %dma_wait3A_718, %dma_wait3A_719] : memref<2x4x128x64xf32, #tpu.memory_space<vmem>> -> memref<1x4x128x64xf32, #tpu.memory_space<vmem>>
      %dma_wait3A_721 = tpu.memref_squeeze %dma_wait3A_720 : memref<1x4x128x64xf32, #tpu.memory_space<vmem>> -> memref<4x128x64xf32, #tpu.memory_space<vmem>>
      %dma_wait3A_722 = arith.constant 0 : i32
      %dma_wait3A_723 = arith.constant 0 : i32
      %dma_wait3A_724 = arith.constant 0 : i32
      %dma_wait3A_725 = arith.constant 0 : i32
      %dma_wait3A_726 = tpu.memref_slice %arg4[%add3A, %dma_wait3A_722, %dma_wait3A_723, %dma_wait3A_724, %dma_wait3A_725] : memref<32x50x4x128x64xf32, #tpu.memory_space<hbm>> -> memref<1x50x4x128x64xf32, #tpu.memory_space<hbm>>
      %dma_wait3A_727 = tpu.memref_squeeze %dma_wait3A_726 : memref<1x50x4x128x64xf32, #tpu.memory_space<hbm>> -> memref<50x4x128x64xf32, #tpu.memory_space<hbm>>
      %dma_wait3A_728 = arith.constant 0 : i32
      %dma_wait3A_729 = arith.constant 0 : i32
      %dma_wait3A_730 = arith.constant 0 : i32
      %dma_wait3A_731 = tpu.memref_slice %dma_wait3A_727[%dma_wait3A_715, %dma_wait3A_728, %dma_wait3A_729, %dma_wait3A_730] : memref<50x4x128x64xf32, #tpu.memory_space<hbm>> -> memref<1x4x128x64xf32, #tpu.memory_space<hbm>>
      %dma_wait3A_732 = tpu.memref_squeeze %dma_wait3A_731 : memref<1x4x128x64xf32, #tpu.memory_space<hbm>> -> memref<4x128x64xf32, #tpu.memory_space<hbm>>
      %dma_wait3A_733 = arith.constant 0 : i32
      %dma_wait3A_734 = arith.constant 0 : i32
      %dma_wait3A_735 = arith.constant 0 : i32
      %dma_wait3A_736 = tpu.memref_slice %arg6[%dma_wait3A_716, %dma_wait3A_733, %dma_wait3A_734, %dma_wait3A_735] : memref<2x4x128x64xf32, #tpu.memory_space<vmem>> -> memref<1x4x128x64xf32, #tpu.memory_space<vmem>>
      %dma_wait3A_737 = tpu.memref_squeeze %dma_wait3A_736 : memref<1x4x128x64xf32, #tpu.memory_space<vmem>> -> memref<4x128x64xf32, #tpu.memory_space<vmem>>
      %dma_wait3A_738 = arith.constant 0 : i32
      %dma_wait3A_739 = arith.constant 0 : i32
      %dma_wait3A_740 = arith.constant 0 : i32
      %dma_wait3A_741 = arith.constant 0 : i32
      %dma_wait3A_742 = tpu.memref_slice %arg4[%add3A, %dma_wait3A_738, %dma_wait3A_739, %dma_wait3A_740, %dma_wait3A_741] : memref<32x50x4x128x64xf32, #tpu.memory_space<hbm>> -> memref<1x50x4x128x64xf32, #tpu.memory_space<hbm>>
      %dma_wait3A_743 = tpu.memref_squeeze %dma_wait3A_742 : memref<1x50x4x128x64xf32, #tpu.memory_space<hbm>> -> memref<50x4x128x64xf32, #tpu.memory_space<hbm>>
      %dma_wait3A_744 = arith.constant 0 : i32
      %dma_wait3A_745 = arith.constant 0 : i32
      %dma_wait3A_746 = arith.constant 0 : i32
      %dma_wait3A_747 = tpu.memref_slice %dma_wait3A_743[%dma_wait3A_715, %dma_wait3A_744, %dma_wait3A_745, %dma_wait3A_746] : memref<50x4x128x64xf32, #tpu.memory_space<hbm>> -> memref<1x4x128x64xf32, #tpu.memory_space<hbm>>
      %dma_wait3A_748 = tpu.memref_squeeze %dma_wait3A_747 : memref<1x4x128x64xf32, #tpu.memory_space<hbm>> -> memref<4x128x64xf32, #tpu.memory_space<hbm>>
      tpu.wait_dma2 semaphore(%arg7 : memref<!tpu.dma_semaphore, #tpu.memory_space<semaphore_mem>>) src(%dma_wait3A_748 : memref<4x128x64xf32, #tpu.memory_space<hbm>>) dst(%dma_wait3A_737 : memref<4x128x64xf32, #tpu.memory_space<vmem>>)
      %add3A_749 = arith.constant 1 : i32
      %add3A_750 = arith.addi %mul3A_397, %add3A_749 : i32
      %dma_start3A_751 = arith.constant 1 : i32
      %dma_start3A_752 = arith.constant 0 : i32
      %dma_start3A_753 = arith.constant 0 : i32
      %dma_start3A_754 = arith.constant 0 : i32
      %dma_start3A_755 = tpu.memref_slice %arg6[%dma_start3A_751, %dma_start3A_752, %dma_start3A_753, %dma_start3A_754] : memref<2x4x128x64xf32, #tpu.memory_space<vmem>> -> memref<1x4x128x64xf32, #tpu.memory_space<vmem>>
      %dma_start3A_756 = tpu.memref_squeeze %dma_start3A_755 : memref<1x4x128x64xf32, #tpu.memory_space<vmem>> -> memref<4x128x64xf32, #tpu.memory_space<vmem>>
      %dma_start3A_757 = arith.constant 0 : i32
      %dma_start3A_758 = arith.constant 0 : i32
      %dma_start3A_759 = arith.constant 0 : i32
      %dma_start3A_760 = arith.constant 0 : i32
      %dma_start3A_761 = tpu.memref_slice %arg4[%add3A, %dma_start3A_757, %dma_start3A_758, %dma_start3A_759, %dma_start3A_760] : memref<32x50x4x128x64xf32, #tpu.memory_space<hbm>> -> memref<1x50x4x128x64xf32, #tpu.memory_space<hbm>>
      %dma_start3A_762 = tpu.memref_squeeze %dma_start3A_761 : memref<1x50x4x128x64xf32, #tpu.memory_space<hbm>> -> memref<50x4x128x64xf32, #tpu.memory_space<hbm>>
      %dma_start3A_763 = arith.constant 0 : i32
      %dma_start3A_764 = arith.constant 0 : i32
      %dma_start3A_765 = arith.constant 0 : i32
      %dma_start3A_766 = tpu.memref_slice %dma_start3A_762[%add3A_750, %dma_start3A_763, %dma_start3A_764, %dma_start3A_765] : memref<50x4x128x64xf32, #tpu.memory_space<hbm>> -> memref<1x4x128x64xf32, #tpu.memory_space<hbm>>
      %dma_start3A_767 = tpu.memref_squeeze %dma_start3A_766 : memref<1x4x128x64xf32, #tpu.memory_space<hbm>> -> memref<4x128x64xf32, #tpu.memory_space<hbm>>
      %dma_start3A_768 = arith.constant 0 : i32
      %dma_start3A_769 = arith.constant 0 : i32
      %dma_start3A_770 = arith.constant 0 : i32
      %dma_start3A_771 = arith.constant 0 : i32
      %dma_start3A_772 = tpu.memref_slice %arg4[%add3A, %dma_start3A_768, %dma_start3A_769, %dma_start3A_770, %dma_start3A_771] : memref<32x50x4x128x64xf32, #tpu.memory_space<hbm>> -> memref<1x50x4x128x64xf32, #tpu.memory_space<hbm>>
      %dma_start3A_773 = tpu.memref_squeeze %dma_start3A_772 : memref<1x50x4x128x64xf32, #tpu.memory_space<hbm>> -> memref<50x4x128x64xf32, #tpu.memory_space<hbm>>
      %dma_start3A_774 = arith.constant 0 : i32
      %dma_start3A_775 = arith.constant 0 : i32
      %dma_start3A_776 = arith.constant 0 : i32
      %dma_start3A_777 = tpu.memref_slice %dma_start3A_773[%add3A_750, %dma_start3A_774, %dma_start3A_775, %dma_start3A_776] : memref<50x4x128x64xf32, #tpu.memory_space<hbm>> -> memref<1x4x128x64xf32, #tpu.memory_space<hbm>>
      %dma_start3A_778 = tpu.memref_squeeze %dma_start3A_777 : memref<1x4x128x64xf32, #tpu.memory_space<hbm>> -> memref<4x128x64xf32, #tpu.memory_space<hbm>>
      %dma_start3A_779 = arith.constant 0 : i32
      %dma_start3A_780 = arith.constant 0 : i32
      %dma_start3A_781 = arith.constant 0 : i32
      %dma_start3A_782 = tpu.memref_slice %arg6[%dma_start3A_751, %dma_start3A_779, %dma_start3A_780, %dma_start3A_781] : memref<2x4x128x64xf32, #tpu.memory_space<vmem>> -> memref<1x4x128x64xf32, #tpu.memory_space<vmem>>
      %dma_start3A_783 = tpu.memref_squeeze %dma_start3A_782 : memref<1x4x128x64xf32, #tpu.memory_space<vmem>> -> memref<4x128x64xf32, #tpu.memory_space<vmem>>
      tpu.enqueue_dma source(%dma_start3A_783 : memref<4x128x64xf32, #tpu.memory_space<vmem>>) target(%dma_start3A_778 : memref<4x128x64xf32, #tpu.memory_space<hbm>>) target_semaphore(%arg8 : memref<!tpu.dma_semaphore, #tpu.memory_space<semaphore_mem>>)
    }
    %scan3A_322 = arith.constant 24 : i32
    %dma_wait3A_323 = arith.constant 0 : i32
    %dma_wait3A_324 = arith.constant 0 : i32
    %dma_wait3A_325 = arith.constant 0 : i32
    %dma_wait3A_326 = arith.constant 0 : i32
    %dma_wait3A_327 = arith.constant 0 : i32
    %dma_wait3A_328 = tpu.memref_slice %arg6[%dma_wait3A_323, %dma_wait3A_325, %dma_wait3A_326, %dma_wait3A_327] : memref<2x4x128x64xf32, #tpu.memory_space<vmem>> -> memref<1x4x128x64xf32, #tpu.memory_space<vmem>>
    %dma_wait3A_329 = tpu.memref_squeeze %dma_wait3A_328 : memref<1x4x128x64xf32, #tpu.memory_space<vmem>> -> memref<4x128x64xf32, #tpu.memory_space<vmem>>
    %dma_wait3A_330 = arith.constant 0 : i32
    %dma_wait3A_331 = arith.constant 0 : i32
    %dma_wait3A_332 = arith.constant 0 : i32
    %dma_wait3A_333 = arith.constant 0 : i32
    %dma_wait3A_334 = tpu.memref_slice %arg4[%add3A, %dma_wait3A_330, %dma_wait3A_331, %dma_wait3A_332, %dma_wait3A_333] : memref<32x50x4x128x64xf32, #tpu.memory_space<hbm>> -> memref<1x50x4x128x64xf32, #tpu.memory_space<hbm>>
    %dma_wait3A_335 = tpu.memref_squeeze %dma_wait3A_334 : memref<1x50x4x128x64xf32, #tpu.memory_space<hbm>> -> memref<50x4x128x64xf32, #tpu.memory_space<hbm>>
    %dma_wait3A_336 = arith.constant 0 : i32
    %dma_wait3A_337 = arith.constant 0 : i32
    %dma_wait3A_338 = arith.constant 0 : i32
    %dma_wait3A_339 = tpu.memref_slice %dma_wait3A_335[%dma_wait3A_324, %dma_wait3A_336, %dma_wait3A_337, %dma_wait3A_338] : memref<50x4x128x64xf32, #tpu.memory_space<hbm>> -> memref<1x4x128x64xf32, #tpu.memory_space<hbm>>
    %dma_wait3A_340 = tpu.memref_squeeze %dma_wait3A_339 : memref<1x4x128x64xf32, #tpu.memory_space<hbm>> -> memref<4x128x64xf32, #tpu.memory_space<hbm>>
    %dma_wait3A_341 = arith.constant 0 : i32
    %dma_wait3A_342 = arith.constant 0 : i32
    %dma_wait3A_343 = arith.constant 0 : i32
    %dma_wait3A_344 = arith.constant 0 : i32
    %dma_wait3A_345 = tpu.memref_slice %arg4[%add3A, %dma_wait3A_341, %dma_wait3A_342, %dma_wait3A_343, %dma_wait3A_344] : memref<32x50x4x128x64xf32, #tpu.memory_space<hbm>> -> memref<1x50x4x128x64xf32, #tpu.memory_space<hbm>>
    %dma_wait3A_346 = tpu.memref_squeeze %dma_wait3A_345 : memref<1x50x4x128x64xf32, #tpu.memory_space<hbm>> -> memref<50x4x128x64xf32, #tpu.memory_space<hbm>>
    %dma_wait3A_347 = arith.constant 0 : i32
    %dma_wait3A_348 = arith.constant 0 : i32
    %dma_wait3A_349 = arith.constant 0 : i32
    %dma_wait3A_350 = tpu.memref_slice %dma_wait3A_346[%dma_wait3A_324, %dma_wait3A_347, %dma_wait3A_348, %dma_wait3A_349] : memref<50x4x128x64xf32, #tpu.memory_space<hbm>> -> memref<1x4x128x64xf32, #tpu.memory_space<hbm>>
    %dma_wait3A_351 = tpu.memref_squeeze %dma_wait3A_350 : memref<1x4x128x64xf32, #tpu.memory_space<hbm>> -> memref<4x128x64xf32, #tpu.memory_space<hbm>>
    %dma_wait3A_352 = arith.constant 0 : i32
    %dma_wait3A_353 = arith.constant 0 : i32
    %dma_wait3A_354 = arith.constant 0 : i32
    %dma_wait3A_355 = tpu.memref_slice %arg6[%dma_wait3A_323, %dma_wait3A_352, %dma_wait3A_353, %dma_wait3A_354] : memref<2x4x128x64xf32, #tpu.memory_space<vmem>> -> memref<1x4x128x64xf32, #tpu.memory_space<vmem>>
    %dma_wait3A_356 = tpu.memref_squeeze %dma_wait3A_355 : memref<1x4x128x64xf32, #tpu.memory_space<vmem>> -> memref<4x128x64xf32, #tpu.memory_space<vmem>>
    tpu.wait_dma2 semaphore(%arg8 : memref<!tpu.dma_semaphore, #tpu.memory_space<semaphore_mem>>) src(%dma_wait3A_356 : memref<4x128x64xf32, #tpu.memory_space<vmem>>) dst(%dma_wait3A_351 : memref<4x128x64xf32, #tpu.memory_space<hbm>>)
    %dma_wait3A_357 = arith.constant 1 : i32
    %dma_wait3A_358 = arith.constant 0 : i32
    %dma_wait3A_359 = arith.constant 0 : i32
    %dma_wait3A_360 = arith.constant 0 : i32
    %dma_wait3A_361 = arith.constant 0 : i32
    %dma_wait3A_362 = tpu.memref_slice %arg6[%dma_wait3A_357, %dma_wait3A_359, %dma_wait3A_360, %dma_wait3A_361] : memref<2x4x128x64xf32, #tpu.memory_space<vmem>> -> memref<1x4x128x64xf32, #tpu.memory_space<vmem>>
    %dma_wait3A_363 = tpu.memref_squeeze %dma_wait3A_362 : memref<1x4x128x64xf32, #tpu.memory_space<vmem>> -> memref<4x128x64xf32, #tpu.memory_space<vmem>>
    %dma_wait3A_364 = arith.constant 0 : i32
    %dma_wait3A_365 = arith.constant 0 : i32
    %dma_wait3A_366 = arith.constant 0 : i32
    %dma_wait3A_367 = arith.constant 0 : i32
    %dma_wait3A_368 = tpu.memref_slice %arg4[%add3A, %dma_wait3A_364, %dma_wait3A_365, %dma_wait3A_366, %dma_wait3A_367] : memref<32x50x4x128x64xf32, #tpu.memory_space<hbm>> -> memref<1x50x4x128x64xf32, #tpu.memory_space<hbm>>
    %dma_wait3A_369 = tpu.memref_squeeze %dma_wait3A_368 : memref<1x50x4x128x64xf32, #tpu.memory_space<hbm>> -> memref<50x4x128x64xf32, #tpu.memory_space<hbm>>
    %dma_wait3A_370 = arith.constant 0 : i32
    %dma_wait3A_371 = arith.constant 0 : i32
    %dma_wait3A_372 = arith.constant 0 : i32
    %dma_wait3A_373 = tpu.memref_slice %dma_wait3A_369[%dma_wait3A_358, %dma_wait3A_370, %dma_wait3A_371, %dma_wait3A_372] : memref<50x4x128x64xf32, #tpu.memory_space<hbm>> -> memref<1x4x128x64xf32, #tpu.memory_space<hbm>>
    %dma_wait3A_374 = tpu.memref_squeeze %dma_wait3A_373 : memref<1x4x128x64xf32, #tpu.memory_space<hbm>> -> memref<4x128x64xf32, #tpu.memory_space<hbm>>
    %dma_wait3A_375 = arith.constant 0 : i32
    %dma_wait3A_376 = arith.constant 0 : i32
    %dma_wait3A_377 = arith.constant 0 : i32
    %dma_wait3A_378 = arith.constant 0 : i32
    %dma_wait3A_379 = tpu.memref_slice %arg4[%add3A, %dma_wait3A_375, %dma_wait3A_376, %dma_wait3A_377, %dma_wait3A_378] : memref<32x50x4x128x64xf32, #tpu.memory_space<hbm>> -> memref<1x50x4x128x64xf32, #tpu.memory_space<hbm>>
    %dma_wait3A_380 = tpu.memref_squeeze %dma_wait3A_379 : memref<1x50x4x128x64xf32, #tpu.memory_space<hbm>> -> memref<50x4x128x64xf32, #tpu.memory_space<hbm>>
    %dma_wait3A_381 = arith.constant 0 : i32
    %dma_wait3A_382 = arith.constant 0 : i32
    %dma_wait3A_383 = arith.constant 0 : i32
    %dma_wait3A_384 = tpu.memref_slice %dma_wait3A_380[%dma_wait3A_358, %dma_wait3A_381, %dma_wait3A_382, %dma_wait3A_383] : memref<50x4x128x64xf32, #tpu.memory_space<hbm>> -> memref<1x4x128x64xf32, #tpu.memory_space<hbm>>
    %dma_wait3A_385 = tpu.memref_squeeze %dma_wait3A_384 : memref<1x4x128x64xf32, #tpu.memory_space<hbm>> -> memref<4x128x64xf32, #tpu.memory_space<hbm>>
    %dma_wait3A_386 = arith.constant 0 : i32
    %dma_wait3A_387 = arith.constant 0 : i32
    %dma_wait3A_388 = arith.constant 0 : i32
    %dma_wait3A_389 = tpu.memref_slice %arg6[%dma_wait3A_357, %dma_wait3A_386, %dma_wait3A_387, %dma_wait3A_388] : memref<2x4x128x64xf32, #tpu.memory_space<vmem>> -> memref<1x4x128x64xf32, #tpu.memory_space<vmem>>
    %dma_wait3A_390 = tpu.memref_squeeze %dma_wait3A_389 : memref<1x4x128x64xf32, #tpu.memory_space<vmem>> -> memref<4x128x64xf32, #tpu.memory_space<vmem>>
    tpu.wait_dma2 semaphore(%arg8 : memref<!tpu.dma_semaphore, #tpu.memory_space<semaphore_mem>>) src(%dma_wait3A_390 : memref<4x128x64xf32, #tpu.memory_space<vmem>>) dst(%dma_wait3A_385 : memref<4x128x64xf32, #tpu.memory_space<hbm>>)
    return
  }
}

</mosaic_0001>

<sc_bundles>
// kernel: kernel.3.cloned.1.call-start
scs
__scs_entry_jumppad:
0x0: {  	(pc) =	sbr.rel $0x88, $3  }
0x1: {  	(tag) =	ssettag $0x0;
	lr =	simm.s32 $0x1  }
0x2: {  	[smem:$0x3F9F] =	sst lr;
	_ =	strace $0xD0000000  }
0x3: {  	_ = 	snop  }
0x4: {  	_ = 	snop  }
0x5: {  	_ = 	snop  }
0x6: {  	_ = 	snop  }
0x7: {  	_ = 	snop  }
__scs_overlays_trampoline_lowered:
0x8: {  	[smem:$0x3FAE] =	sst s0  }
0x9: {  	[smem:$0x3FAF] =	sst s1  }
0xa: {  	[smem:$0x3FB0] =	sst s2  }
0xb: {  	[smem:$0x3FB1] =	sst s3  }
0xc: {  	[smem:$0x3FB2] =	sst s4  }
0xd: {  	[smem:$0x3FB3] =	sst s5  }
0xe: {  	[smem:$0x3FB4] =	sst s6  }
0xf: {  	[smem:$0x3FB5] =	sst s7  }
0x10: {  	[smem:$0x3FB6] =	sst s8  }
0x11: {  	[smem:$0x3FB7] =	sst s9;
	s0 =	simm.s32 @!p0 $0x0  }
0x12: {  	s1 =	sld [smem:$0x3F9D];
	s0 =	simm.s32 @p0 $0x1  }
0x13: {  	[smem:$0x3FB8] =	sst s0;
	s0 =	simm.s32 @!p1 $0x0  }
0x14: {  	s2 =	sld [smem:$0x3F9C];
	s0 =	simm.s32 @p1 $0x1  }
0x15: {  	[smem:$0x3FB9] =	sst s0;
	s0 =	simm.s32 @!p2 $0x0  }
0x16: {  	s3 =	sld [smem:$0x3FDB];
	s0 =	simm.s32 @p2 $0x1  }
0x17: {  	s4 =	simm.s32 $0x1BF5;
	[smem:$0x3FBB] =	sst s0  }
0x18: {  	s0 =	sld [smem:$0x3F9E];
	_ =	swait.ge [sflag:s4], $0x0  }
0x19: {  	s7 =	sld [smem:$0x3F9F]  }
0x1a: {  	s8 =	sadd.s32 $0xFFFFE003, lr  }
0x1b: {  	s9 =	sadd.s32 $0xFFFFFEF7, lr;
	s5 =	simm.s32 $0xFFFFFFFF;
	p2 =	slt.u32 s8, $0xFFFFF086  }
0x1c: {  	p1 =	slt.u32 s9, $0xF7A;
	s5 =	simm.s32 @!p2 $0x0  }
0x1d: {  	s5 =	simm.s32 @p1 $0x1;
	p0 =	seq.s32 s7, s2  }
0x1e: {  	s7 =	smul.u32 @!p0 $0xF7A, s2;
	p2 =	seq.s32 @!p0 s5, $0x0  }
0x1f: {  	s9 =	smul.u32 $0xF7A, s1;
	s8 =	simm.s32 @!p0 $0x1BF5;
	p2 =	por !p2, p0  }
0x20: {  	[sflag:s8] =	ssyncset.s32 @!p0 $0xFFFFF086;
	s6 =	sadd.s32 @!p0 s3, s7;
	s7 =	simm.s32 @!p0 $0x108  }
0x21: {  	s3 =	sadd.s32 s3, s9;
	s6 =	sadd.s32 @!p0 $0x88, s6;
	s7 =	simm.s32 @p2 $0x1082  }
0x22: {  	[simem:s7], [sflag:s8] =	dma.local @!p0 [hbm:s6], $0xF7A  }
0x23: {  	s9 =	sor.u32 $0xD0000000, s2;
	s6 =	simm.s32 $0x108;
	_ =	swait.ge @!p0 [sflag:s8], $0x0  }
0x24: {  	s3 =	sadd.s32 $0x88, s3;
	s6 =	simm.s32 @!p1 $0x1082;
	[sflag:s4] =	ssyncset.s32 $0xFFFFF086  }
0x25: {  	[simem:s6], [sflag:s4] =	dma.local [hbm:s3], $0xF7A  }
0x26: {  	[smem:$0x3F9F] =	sst s1;
	(tag) =	ssettag s2;
	_ =	strace s9  }
0x27: {  	s1 =	sld [smem:$0x3FAF]  }
0x28: {  	s2 =	sld [smem:$0x3FB0]  }
0x29: {  	s4 =	sld [smem:$0x3FB2]  }
0x2a: {  	p0 =	seq.s32 s5, $0x0;
	s5 =	sld [smem:$0x3FB3]  }
0x2b: {  	s6 =	sld [smem:$0x3FB4]  }
0x2c: {  	s7 =	sld [smem:$0x3FB5]  }
0x2d: {  	s3 =	simm.s32 $0x108;
	s8 =	sld [smem:$0x3FB6]  }
0x2e: {  	s3 =	simm.s32 @!p0 $0x1082;
	s9 =	sld [smem:$0x3FB7]  }
0x2f: {  	lr =	sadd.s32 s0, s3;
	s0 =	sld [smem:$0x3FAE]  }
0x30: {  	s3 =	sld [smem:$0x3FB1]  }
0x31: {  	[smem:$0x3FBA] =	sst s10  }
0x32: {  	s10 =	sld [smem:$0x3FB8];
	_ =	sdelay $0x3  }
0x33: {  	p0 =	seq.s32 s10, $0x1;
	s10 =	sld [smem:$0x3FBA];
	_ =	sdelay $0x3  }
0x34: {  	[smem:$0x3FBA] =	sst s10  }
0x35: {  	s10 =	sld [smem:$0x3FB9];
	_ =	sdelay $0x3  }
0x36: {  	p1 =	seq.s32 s10, $0x1;
	s10 =	sld [smem:$0x3FBA];
	_ =	sdelay $0x3  }
0x37: {  	[smem:$0x3FBA] =	sst s10  }
0x38: {  	s10 =	sld [smem:$0x3FBB]  }
0x39: {  	_ = 	snop;
	(pc) =	sbr.ind lr, $3  }
0x3a: {  	_ = 	snop  }
0x3b: {  	_ = 	snop  }
0x3c: {  	p2 =	seq.s32 s10, $0x1;
	s10 =	sld [smem:$0x3FBA]  }
0x3d: {  	_ =	shalt  }
0x3e: {  	_ =	shalt  }
0x3f: {  	_ =	shalt  }
0x40: {  	_ =	shalt  }
0x41: {  	_ =	shalt  }
0x42: {  	_ =	shalt  }
0x43: {  	_ =	shalt  }
0x44: {  	_ =	shalt  }
0x45: {  	_ =	shalt  }
0x46: {  	_ =	shalt  }
0x47: {  	_ =	shalt  }
0x48: {  	_ =	shalt  }
0x49: {  	_ =	shalt  }
0x4a: {  	_ =	shalt  }
0x4b: {  	_ =	shalt  }
0x4c: {  	_ =	shalt  }
0x4d: {  	_ =	shalt  }
0x4e: {  	_ =	shalt  }
0x4f: {  	_ =	shalt  }
0x50: {  	_ =	shalt  }
0x51: {  	_ =	shalt  }
0x52: {  	_ =	shalt  }
0x53: {  	_ =	shalt  }
0x54: {  	_ =	shalt  }
0x55: {  	_ =	shalt  }
0x56: {  	_ =	shalt  }
0x57: {  	_ =	shalt  }
0x58: {  	_ =	shalt  }
0x59: {  	_ =	shalt  }
0x5a: {  	_ =	shalt  }
0x5b: {  	_ =	shalt  }
0x5c: {  	_ =	shalt  }
0x5d: {  	_ =	shalt  }
0x5e: {  	_ =	shalt  }
0x5f: {  	_ =	shalt  }
0x60: {  	_ =	shalt  }
0x61: {  	_ =	shalt  }
0x62: {  	_ =	shalt  }
0x63: {  	_ =	shalt  }
0x64: {  	_ =	shalt  }
0x65: {  	_ =	shalt  }
0x66: {  	_ =	shalt  }
0x67: {  	_ =	shalt  }
0x68: {  	_ =	shalt  }
0x69: {  	_ =	shalt  }
0x6a: {  	_ =	shalt  }
0x6b: {  	_ =	shalt  }
0x6c: {  	_ =	shalt  }
0x6d: {  	_ =	shalt  }
0x6e: {  	_ =	shalt  }
0x6f: {  	_ =	shalt  }
0x70: {  	_ =	shalt  }
0x71: {  	_ =	shalt  }
0x72: {  	_ =	shalt  }
0x73: {  	_ =	shalt  }
0x74: {  	_ =	shalt  }
0x75: {  	_ =	shalt  }
0x76: {  	_ =	shalt  }
0x77: {  	_ =	shalt  }
0x78: {  	_ =	shalt  }
0x79: {  	_ =	shalt  }
0x7a: {  	_ =	shalt  }
0x7b: {  	_ =	shalt  }
0x7c: {  	_ =	shalt  }
0x7d: {  	_ =	shalt  }
0x7e: {  	_ =	shalt  }
0x7f: {  	_ =	shalt  }
0x80: {  	_ =	shalt  }
0x81: {  	_ =	shalt  }
0x82: {  	_ =	shalt  }
0x83: {  	_ =	shalt  }
0x84: {  	_ =	shalt  }
0x85: {  	_ =	shalt  }
0x86: {  	_ =	shalt  }
0x87: {  	_ =	shalt  }
.Lfunc_end0:
.L_simem_size_0:
called_computation.1_lowered:
.L_overlay_start_0:
0x88: {  	s2 =	sld [smem:$0x3FD9]  }
0x89: {  	s3 =	sld [smem:$0x3FFE];
	_ =	sdelay $0x1  }
0x8a: {  	s1 =	srdreg.scid  }
0x8b: {  	s0 =	sand.u32 $0x1, s1  }
0x8c: {  	s17 =	sshll.u32 s0, $0xA;
	s2 =	sadd.s32 s3, s2  }
0x8d: {  	s2 =	sadd.s32 s2, s17  }
0x8e: {  	[smem:$0x3FC6] =	sst s2  }
0x8f: {  	_ = 	snop  }
0x90: {  	s2 =	sld [smem:$0x3FD0];
	(tm) =	ssettm $0x1  }
0x91: {  	s18 =	sld [smem:$0x3FFB];
	_ =	sdelay $0x3  }
0x92: {  	_ =	strace s18  }
0x93: {  	s3 =	sld [smem:$0x3FFC];
	_ =	sdelay $0x3  }
0x94: {  	_ =	strace s3  }
0x95: {  	s3 =	sld [smem:$0x3FFD];
	_ =	sdelay $0x3  }
0x96: {  	_ =	strace s3  }
0x97: {  	_ =	strace $0x8FFFFFFF  }
0x98: {  	s19 =	sld [smem:$0x3FDB];
	_ =	sdelay $0x1  }
0x99: {  	s4 =	simm.s32 $_scs_section_size  }
0x9a: {  	s5 =	simm.s32 $_size__tile_overlayer_lowered;
	s6 =	simm.s32 $_tile_overlayer_lowered  }
0x9b: {  	s22 =	simm.s32 $0x1BFF;
	s21 =	sshll.u32 s6, $0x1;
	s3 =	sadd.s32 s4, s19  }
0x9c: {  	s7 =	simm.s32 $0x0;
	s20 =	sshll.u32 s5, $0x1;
	s5 =	sadd.s32 s21, s3  }
0x9d: {  	[timem:s7], [sflag:s22] =	dma.local [hbm:s5], s20  }
0x9e: {  	_ =	swait.ge [sflag:s22], s20  }
0x9f: {  	s4 =	ssub.s32 $0x0, s20;
	[sflag:s22] =	ssyncset.done $0x0  }
0xa0: {  	[sflag:s22] =	ssyncadd.s32 s4;
	_ =	sdelay $0x1  }
0xa1: {  	s23 =	simm.s32 $0x1B8B  }
0xa2: {  	_ =	swait.ge [sflag:s23], $0x1  }
0xa3: {  	[sflag:s23] =	ssyncset.done $0x0  }
0xa4: {  	s25 =	simm.s32 $0x1B8E;
	s24 =	sld [smem:$0x3FFE];
	[sflag:s23] =	ssyncadd.s32 $0xFFFFFFFF  }
0xa5: {  	s26 =	simm.s32 $execute0_lowered;
	[smem:$0x3FD2] =	sst s25  }
0xa6: {  	s5 =	sshll.u32 s26, $0x1;
	_ =	strace $0x80000046;
	[dreg:$0x1] =	wrdreg $0xFFFFFFFF  }
0xa7: {  	s28 =	simm.s32 $_size_execute0_lowered;
	s3 =	sadd.s32 s3, s5;
	[dreg:$0x0] =	wrdreg $0x0  }
0xa8: {  	s5 =	sshll.u32 s28, $0x1;
	[dreg:$0x2] =	wrdreg s3  }
0xa9: {  	[dreg:$0x3] =	wrdreg s5  }
0xaa: {  	[dreg:$0x4] =	wrdreg $0xC0  }
0xab: {  	_ =	task [dreg:s7], $0x5FFFF  }
0xac: {  	[dreg:$0x1] =	wrdreg $0xFFFFFFFF  }
0xad: {  	[dreg:$0x0] =	wrdreg $0x60  }
0xae: {  	[dreg:$0x2] =	wrdreg s24  }
0xaf: {  	[dreg:$0x3] =	wrdreg s2  }
0xb0: {  	[dreg:$0x4] =	wrdreg $0x9  }
0xb1: {  	_ =	task.clear_ibuf [dreg:s7], $0x5FFFF;
	_ =	strace $0x90000046  }
0xb2: {  	s29 =	simm.s32 $0x9;
	_ =	strace $0x80000048  }
0xb3: {  	_ =	swait.ge [sflag:s29], $0x1  }
0xb4: {  	[sflag:s29] =	ssyncadd.s32 $0xFFFFFFFF  }
0xb5: {  	_ =	strace $0x90000048  }
0xb6: {  	_ =	sfence  }
0xb7: {  	s30 =	sld [smem:$0x0];
	_ =	sdelay $0x2  }
0xb8: {  	s31 =	sshll.u32 s1, $0xD;
	s1 =	sshrl.u32 s1, $0x2  }
0xb9: {  	s3 =	sand.u32 $0x4000, s31;
	s1 =	sadd.s32 s1, s30  }
0xba: {  	s0 =	sor.u32 s3, s0;
	s1 =	sshll.u32 s1, $0x11  }
0xbb: {  	s0 =	sor.u32 s1, s0  }
0xbc: {  	s0 =	sadd.s32 $0x8F2B, s0  }
0xbd: {  	[sflag:s0] =	ssyncadd.remote.s32 $0x1  }
0xbe: {  	_ =	sfence.sel $0xFFFF  }
0xbf: {  	[dreg:$0x0] =	wrdreg $0xFFFFFFFF;
	(pc) =	sbr.abs _section_cstart, $3  }
0xc0: {  	[dreg:$0x1] =	wrdreg $0xFFFFFFFF  }
0xc1: {  	_ =	task.clear_ibuf [dreg:s7], $0x2FFFF;
	_ =	strace $0x9FFFFFFF  }
0xc2: {  	(tm) =	ssettm $0x7FFFFFFF  }
0xc3: {  	_ =	shalt  }
tec
execute0_lowered:
.L_overlay_start_1:
0x0: {  	(tag) =	ssettag $0x1  }
0x1: {  	s3 =	rddreg [dreg:$0x0];
	s1 =	srdreg.scid  }
0x2: {  	s0 =	stileid.u32;
	s5 =	rddreg [dreg:$0x1];
	s2 =	simm.s32 $0x0  }
0x3: {  	s9 =	simm.s32 $0x6400;
	s10 =	simm.s32 $0x8400;
	s11 =	simm.s32 $0x100  }
0x4: {  	s12 =	simm.s32 $0xA400;
	s13 =	simm.s32 $0x180;
	s14 =	simm.s32 $0xC400  }
0x5: {  	s15 =	simm.s32 $0x200;
	s16 =	simm.s32 $0xE400;
	s17 =	simm.s32 $0x280  }
0x6: {  	s18 =	simm.s32 $0x10400;
	s19 =	simm.s32 $0x300;
	s20 =	simm.s32 $0x12400  }
0x7: {  	s21 =	simm.s32 $0x380;
	s4 =	sand.u32 $0x1, s1;
	s6 =	sshll.u32 s0, $0x1  }
0x8: {  	s22 =	simm.s32 $0x14400;
	s23 =	simm.s32 $0x1;
	s6 =	sor.u32 s4, s6  }
0x9: {  	s26 =	simm.s32 $0x2;
	s4 =	ssub.s32 $0x2, s4;
	s7 =	smul.u32 $0xC80, s6  }
0xa: {  	[smem:$0x7FF] =	sst s2;
	s8 =	sshrl.u32 s4, $0x1;
	s6 =	smul.u32 $0x32000, s6  }
0xb: {  	s28 =	simm.s32 $0x0;
	_ =	strace $0x80000047;
	s8 =	ssub.s32 s4, s8  }
0xc: {  	s7 =	sadd.s32 s7, s3;
	s3 =	sadd.s32 $0xF42E00, s3;
	s5 =	sadd.s32 s5, s6  }
0xd: {  	s6 =	smax.u32 s8, $0x1;
	s8 =	simm.s32 $0x80;
	s4 =	sadd.s32 $0xA00, s7  }
0xe: {  	s7 =	simm.s32 $0x3;
	s24 =	sadd.s32 $0x1000, s5;
	s25 =	sadd.s32 $0x2000, s5  }
.LBB2_1:
0xf: {  	[tilespmem:s2], [sflag:$0x3] =	stream.linear.gather [hbm4b:s4+s2], $0x6400, $0x38;
	[tilespmem:$0x16400] =	vst v63  }
0x10: {  	_ =	swait.ge [sflag:s7], $0x6400  }
0x11: {  	[sflag:s7] =	ssyncset.done $0x0  }
0x12: {  	[sflag:s7] =	ssyncadd.s32 $0xFFFF9C00  }
0x13: {  	[tilespmem:s9], [sflag:$0x1] =	stream.indirect.gather [hbm4b:s3+s8], $0x40, s2, s8, $0xb8;
	[tilespmem:$0x16400] =	vst v63  }
0x14: {  	_ = 	snop  }
0x15: {  	[tilespmem:s10], [sflag:$0x1] =	stream.indirect.gather [hbm4b:s3+s8], $0x40, s8, s8, $0xb8;
	[tilespmem:$0x16400] =	vst v63  }
0x16: {  	_ = 	snop  }
0x17: {  	[tilespmem:s12], [sflag:$0x1] =	stream.indirect.gather [hbm4b:s3+s8], $0x40, s11, s8, $0xb8;
	[tilespmem:$0x16400] =	vst v63  }
0x18: {  	_ = 	snop  }
0x19: {  	[tilespmem:s14], [sflag:$0x1] =	stream.indirect.gather [hbm4b:s3+s8], $0x40, s13, s8, $0xb8;
	[tilespmem:$0x16400] =	vst v63  }
0x1a: {  	_ = 	snop  }
0x1b: {  	[tilespmem:s16], [sflag:$0x1] =	stream.indirect.gather [hbm4b:s3+s8], $0x40, s15, s8, $0xb8;
	[tilespmem:$0x16400] =	vst v63  }
0x1c: {  	_ = 	snop  }
0x1d: {  	[tilespmem:s18], [sflag:$0x1] =	stream.indirect.gather [hbm4b:s3+s8], $0x40, s17, s8, $0xb8;
	[tilespmem:$0x16400] =	vst v63  }
0x1e: {  	_ = 	snop  }
0x1f: {  	[tilespmem:s20], [sflag:$0x1] =	stream.indirect.gather [hbm4b:s3+s8], $0x40, s19, s8, $0xb8;
	[tilespmem:$0x16400] =	vst v63  }
0x20: {  	_ = 	snop  }
0x21: {  	[tilespmem:s22], [sflag:$0x1] =	stream.indirect.gather [hbm4b:s3+s8], $0x40, s21, s8, $0xb8;
	[tilespmem:$0x16400] =	vst v63  }
0x22: {  	_ =	swait.ge [sflag:s23], $0x8000  }
0x23: {  	[sflag:s23] =	ssyncset.done $0x0  }
0x24: {  	[sflag:s23] =	ssyncadd.s32 $0xFFFF8000  }
0x25: {  	[hbm4b:s5+s2] =	stream.linear.scatter [tilespmem:s9], [sflag:$0x2], $0x8000, $0x38;
	[tilespmem:$0x16400] =	vst v63  }
0x26: {  	_ =	swait.ge [sflag:s23], $0x8000  }
0x27: {  	[sflag:s23] =	ssyncset.done $0x0  }
0x28: {  	[sflag:s23] =	ssyncadd.s32 $0xFFFF8000  }
0x29: {  	[hbm4b:s24+s2] =	stream.linear.scatter [tilespmem:s16], [sflag:$0x2], $0x8000, $0x38;
	[tilespmem:$0x16400] =	vst v63  }
0x2a: {  	_ =	swait.ge [sflag:s26], $0x8000  }
0x2b: {  	[sflag:s26] =	ssyncset.done $0x0  }
0x2c: {  	s29 =	simm.s32 $0x400;
	[sflag:s26] =	ssyncadd.s32 $0xFFFF8000  }
0x2d: {  	[tilespmem:s9], [sflag:$0x1] =	stream.indirect.gather [hbm4b:s3+s8], $0x40, s29, s8, $0xb8;
	[tilespmem:$0x16400] =	vst v63  }
0x2e: {  	s29 =	simm.s32 $0x480  }
0x2f: {  	[tilespmem:s10], [sflag:$0x1] =	stream.indirect.gather [hbm4b:s3+s8], $0x40, s29, s8, $0xb8;
	[tilespmem:$0x16400] =	vst v63  }
0x30: {  	s29 =	simm.s32 $0x500  }
0x31: {  	[tilespmem:s12], [sflag:$0x1] =	stream.indirect.gather [hbm4b:s3+s8], $0x40, s29, s8, $0xb8;
	[tilespmem:$0x16400] =	vst v63  }
0x32: {  	s29 =	simm.s32 $0x580  }
0x33: {  	[tilespmem:s14], [sflag:$0x1] =	stream.indirect.gather [hbm4b:s3+s8], $0x40, s29, s8, $0xb8;
	[tilespmem:$0x16400] =	vst v63  }
0x34: {  	_ =	swait.ge [sflag:s26], $0x8000  }
0x35: {  	[sflag:s26] =	ssyncset.done $0x0  }
0x36: {  	s29 =	simm.s32 $0x600;
	[sflag:s26] =	ssyncadd.s32 $0xFFFF8000  }
0x37: {  	[tilespmem:s16], [sflag:$0x1] =	stream.indirect.gather [hbm4b:s3+s8], $0x40, s29, s8, $0xb8;
	[tilespmem:$0x16400] =	vst v63  }
0x38: {  	s29 =	simm.s32 $0x680  }
0x39: {  	[tilespmem:s18], [sflag:$0x1] =	stream.indirect.gather [hbm4b:s3+s8], $0x40, s29, s8, $0xb8;
	[tilespmem:$0x16400] =	vst v63  }
0x3a: {  	s29 =	simm.s32 $0x700  }
0x3b: {  	[tilespmem:s20], [sflag:$0x1] =	stream.indirect.gather [hbm4b:s3+s8], $0x40, s29, s8, $0xb8;
	[tilespmem:$0x16400] =	vst v63  }
0x3c: {  	s29 =	simm.s32 $0x780  }
0x3d: {  	[tilespmem:s22], [sflag:$0x1] =	stream.indirect.gather [hbm4b:s3+s8], $0x40, s29, s8, $0xb8;
	[tilespmem:$0x16400] =	vst v63  }
0x3e: {  	_ =	swait.ge [sflag:s23], $0x8000  }
0x3f: {  	[sflag:s23] =	ssyncset.done $0x0  }
0x40: {  	[sflag:s23] =	ssyncadd.s32 $0xFFFF8000  }
0x41: {  	[hbm4b:s25+s2] =	stream.linear.scatter [tilespmem:s9], [sflag:$0x2], $0x8000, $0x38;
	[tilespmem:$0x16400] =	vst v63  }
0x42: {  	_ =	swait.ge [sflag:s23], $0x8000  }
0x43: {  	s31 =	sadd.s32 $0x1000, s25;
	[sflag:s23] =	ssyncset.done $0x0  }
0x44: {  	s30 =	sadd.s32 $0x2000, s25;
	s29 =	simm.s32 $0x1000;
	[sflag:s23] =	ssyncadd.s32 $0xFFFF8000  }
.LBB2_2:
0x45: {  	[hbm4b:s31+s2] =	stream.linear.scatter [tilespmem:s16], [sflag:$0x2], $0x8000, $0x38;
	[tilespmem:$0x16400] =	vst v63  }
0x46: {  	s31 =	smov.u32 s29  }
0x47: {  	p0 =	sne.s32 s29, $0x17000;
	s29 =	sadd.s32 $0x1000, s29;
	_ =	swait.ge [sflag:s26], $0x8000  }
0x48: {  	s31 =	sshra.s32 s31, $0x2;
	[sflag:s26] =	ssyncset.done $0x0  }
0x49: {  	s1 =	sadd.s32 $0x400, s31;
	[sflag:s26] =	ssyncadd.s32 $0xFFFF8000  }
0x4a: {  	[tilespmem:s9], [sflag:$0x1] =	stream.indirect.gather [hbm4b:s3+s8], $0x40, s1, s8, $0xb8;
	[tilespmem:$0x16400] =	vst v63  }
0x4b: {  	s1 =	sadd.s32 $0x480, s31  }
0x4c: {  	[tilespmem:s10], [sflag:$0x1] =	stream.indirect.gather [hbm4b:s3+s8], $0x40, s1, s8, $0xb8;
	[tilespmem:$0x16400] =	vst v63  }
0x4d: {  	s1 =	sadd.s32 $0x500, s31  }
0x4e: {  	[tilespmem:s12], [sflag:$0x1] =	stream.indirect.gather [hbm4b:s3+s8], $0x40, s1, s8, $0xb8;
	[tilespmem:$0x16400] =	vst v63  }
0x4f: {  	s1 =	sadd.s32 $0x580, s31  }
0x50: {  	[tilespmem:s14], [sflag:$0x1] =	stream.indirect.gather [hbm4b:s3+s8], $0x40, s1, s8, $0xb8;
	[tilespmem:$0x16400] =	vst v63  }
0x51: {  	_ =	swait.ge [sflag:s26], $0x8000  }
0x52: {  	[sflag:s26] =	ssyncset.done $0x0  }
0x53: {  	s1 =	sadd.s32 $0x600, s31;
	[sflag:s26] =	ssyncadd.s32 $0xFFFF8000  }
0x54: {  	[tilespmem:s16], [sflag:$0x1] =	stream.indirect.gather [hbm4b:s3+s8], $0x40, s1, s8, $0xb8;
	[tilespmem:$0x16400] =	vst v63  }
0x55: {  	s1 =	sadd.s32 $0x680, s31  }
0x56: {  	[tilespmem:s18], [sflag:$0x1] =	stream.indirect.gather [hbm4b:s3+s8], $0x40, s1, s8, $0xb8;
	[tilespmem:$0x16400] =	vst v63  }
0x57: {  	s1 =	sadd.s32 $0x700, s31  }
0x58: {  	[tilespmem:s20], [sflag:$0x1] =	stream.indirect.gather [hbm4b:s3+s8], $0x40, s1, s8, $0xb8;
	[tilespmem:$0x16400] =	vst v63  }
0x59: {  	s1 =	sadd.s32 $0x780, s31  }
0x5a: {  	[tilespmem:s22], [sflag:$0x1] =	stream.indirect.gather [hbm4b:s3+s8], $0x40, s1, s8, $0xb8;
	[tilespmem:$0x16400] =	vst v63  }
0x5b: {  	_ =	swait.ge [sflag:s23], $0x8000  }
0x5c: {  	[sflag:s23] =	ssyncset.done $0x0  }
.Ltmp0:
0x5d: {  	[sflag:s23] =	ssyncadd.s32 $0xFFFF8000;
	(pc) =	sbr.rel @p0 .LBB2_2-.Ltmp0, $4  }
0x5e: {  	[hbm4b:s30+s2] =	stream.linear.scatter [tilespmem:s9], [sflag:$0x2], $0x8000, $0x38;
	[tilespmem:$0x16400] =	vst v63  }
0x5f: {  	_ =	swait.ge [sflag:s23], $0x8000  }
0x60: {  	[sflag:s23] =	ssyncset.done $0x0  }
0x61: {  	s31 =	sadd.s32 $0x1000, s30;
	s30 =	sadd.s32 $0x2000, s30;
	[sflag:s23] =	ssyncadd.s32 $0xFFFF8000  }
0x62: {  	[hbm4b:s31+s2] =	stream.linear.scatter [tilespmem:s16], [sflag:$0x2], $0x8000, $0x38;
	[tilespmem:$0x16400] =	vst v63  }
0x63: {  	s28 =	sadd.s32 $0x1, s28  }
0x64: {  	_ =	swait.ge [sflag:s26], $0x8000;
	p0 =	sne.s32 s28, s6  }
.Ltmp1:
0x65: {  	[sflag:s26] =	ssyncset.done $0x0;
	(pc) =	sbr.rel @p0 .LBB2_1-.Ltmp1, $4  }
0x66: {  	[sflag:s26] =	ssyncadd.s32 $0xFFFF8000  }
0x67: {  	_ =	swait.ge [sflag:s26], $0x8000  }
0x68: {  	[sflag:s26] =	ssyncset.done $0x0  }
0x69: {  	[sflag:s26] =	ssyncadd.s32 $0xFFFF8000  }
0x6a: {  	_ =	sfence.sel $0x180000  }
0x6b: {  	[bflag:$0x0] =	sbarrier.arrive $0xFFFF  }
0x6c: {  	_ =	strace $0x90000047  }
0x6d: {  	[bflag:$0x2] =	sbarrier.arrive $0xFFFF  }
0x6e: {  	p0 =	sne.s32 s0, $0x0;
	s0 =	rddreg [dreg:$0x2]  }
0x6f: {  	s0 =	sadd.s32 @!p0 $0x100000, s0  }
0x70: {  	[sflag:s0] =	ssyncadd.tile.s32 @!p0 $0x1;
	_ =	shalt  }
.Lfunc_end2:
_tile_overlayer_lowered:
.L_overlay_start_2:
0x71: {  	(tag) =	ssettag $0x2  }
0x72: {  	s0 =	rddreg [dreg:$0x0];
	s2 =	stileid.u32  }
0x73: {  	s1 =	rddreg [dreg:$0x1];
	p0 =	sne.s32 s2, $0x0  }
0x74: {  	s3 =	rddreg [dreg:$0x2];
	[bflag:$0x3] =	sbarrier.arrive $0xFFFF;
	s2 =	simm.s32 @!p0 $0x1C03  }
0x75: {  	[timem:s3], [sflag:s2] =	dma.local @!p0 [hbm:s0], s1  }
0x76: {  	s0 =	simm.s32 @!p0 $0x3  }
0x77: {  	_ =	swait.ge @!p0 [sflag:s0], s1  }
0x78: {  	s1 =	ssub.s32 @!p0 $0x0, s1;
	[sflag:s0] =	ssyncset.done @!p0 $0x0  }
0x79: {  	[sflag:s0] =	ssyncadd.s32 @!p0 s1  }
0x7a: {  	[bflag:$0x3] =	sbarrier.arrive $0xFFFF  }
0x7b: {  	_ =	shalt  }

// kernel: sparse-core-data-format-call.cloned.1.call-start
scs
called_computation_lowered:
.L_overlay_start_0:
0x0: {  	s2 =	sld [smem:$0x3FD9]  }
0x1: {  	s3 =	sld [smem:$0x3FFE];
	_ =	sdelay $0x1  }
0x2: {  	s1 =	srdreg.scid  }
0x3: {  	s0 =	sand.u32 $0x1, s1  }
0x4: {  	s18 =	sshll.u32 s0, $0xA;
	s2 =	sadd.s32 s3, s2  }
0x5: {  	s2 =	sadd.s32 s2, s18  }
0x6: {  	[smem:$0x3FC6] =	sst s2  }
0x7: {  	_ = 	snop  }
0x8: {  	s2 =	sld [smem:$0x3FD0];
	(tm) =	ssettm $0x1  }
0x9: {  	s19 =	sld [smem:$0x3FFB];
	_ =	sdelay $0x3  }
0xa: {  	_ =	strace s19  }
0xb: {  	s3 =	sld [smem:$0x3FFC];
	_ =	sdelay $0x3  }
0xc: {  	_ =	strace s3  }
0xd: {  	s3 =	sld [smem:$0x3FFD];
	_ =	sdelay $0x3  }
0xe: {  	_ =	strace s3  }
0xf: {  	_ =	strace $0x8FFFFFFF  }
0x10: {  	s20 =	sld [smem:$0x3FDB];
	_ =	sdelay $0x1  }
0x11: {  	s4 =	simm.s32 $_scs_section_size  }
0x12: {  	s5 =	simm.s32 $_size__tile_overlayer_lowered;
	s6 =	simm.s32 $_tile_overlayer_lowered  }
0x13: {  	s23 =	simm.s32 $0x1BFF;
	s22 =	sshll.u32 s6, $0x1;
	s3 =	sadd.s32 s4, s20  }
0x14: {  	s7 =	simm.s32 $0x0;
	s21 =	sshll.u32 s5, $0x1;
	s5 =	sadd.s32 s22, s3  }
0x15: {  	[timem:s7], [sflag:s23] =	dma.local [hbm:s5], s21  }
0x16: {  	_ =	swait.ge [sflag:s23], s21  }
0x17: {  	s4 =	ssub.s32 $0x0, s21;
	[sflag:s23] =	ssyncset.done $0x0  }
0x18: {  	[sflag:s23] =	ssyncadd.s32 s4;
	_ =	sdelay $0x1  }
0x19: {  	s24 =	simm.s32 $0x1B8B  }
0x1a: {  	_ =	swait.ge [sflag:s24], $0x1  }
0x1b: {  	[sflag:s24] =	ssyncset.done $0x0  }
0x1c: {  	s26 =	simm.s32 $0x1B8E;
	s25 =	sld [smem:$0x3FFE];
	[sflag:s24] =	ssyncadd.s32 $0xFFFFFFFF  }
0x1d: {  	s27 =	simm.s32 $execute0_lowered;
	[smem:$0x3FD2] =	sst s26  }
0x1e: {  	s5 =	sshll.u32 s27, $0x1;
	_ =	strace $0x80000049;
	[dreg:$0x1] =	wrdreg $0xFFFFFFFF  }
0x1f: {  	s28 =	simm.s32 $_size_execute0_lowered;
	s3 =	sadd.s32 s3, s5;
	[dreg:$0x0] =	wrdreg $0x0  }
0x20: {  	s5 =	sshll.u32 s28, $0x1;
	[dreg:$0x2] =	wrdreg s3  }
0x21: {  	[dreg:$0x3] =	wrdreg s5  }
0x22: {  	[dreg:$0x4] =	wrdreg $0xC0  }
0x23: {  	_ =	task [dreg:s7], $0x5FFFF  }
0x24: {  	[dreg:$0x1] =	wrdreg $0xFFFFFFFF  }
0x25: {  	[dreg:$0x0] =	wrdreg $0x60  }
0x26: {  	[dreg:$0x2] =	wrdreg s25  }
0x27: {  	[dreg:$0x3] =	wrdreg s2  }
0x28: {  	[dreg:$0x4] =	wrdreg $0x9  }
0x29: {  	_ =	task.clear_ibuf [dreg:s7], $0x5FFFF;
	_ =	strace $0x90000049  }
0x2a: {  	s29 =	simm.s32 $0x9;
	_ =	strace $0x8000004B  }
0x2b: {  	_ =	swait.ge [sflag:s29], $0x1  }
0x2c: {  	[sflag:s29] =	ssyncadd.s32 $0xFFFFFFFF  }
0x2d: {  	_ =	strace $0x9000004B  }
0x2e: {  	_ =	sfence  }
0x2f: {  	s30 =	sld [smem:$0x0];
	_ =	sdelay $0x2  }
0x30: {  	s31 =	sshll.u32 s1, $0xD;
	s1 =	sshrl.u32 s1, $0x2  }
0x31: {  	s3 =	sand.u32 $0x4000, s31;
	s1 =	sadd.s32 s1, s30  }
0x32: {  	s0 =	sor.u32 s3, s0;
	s1 =	sshll.u32 s1, $0x11  }
0x33: {  	s0 =	sor.u32 s1, s0  }
0x34: {  	s0 =	sadd.s32 $0x8F2B, s0  }
0x35: {  	[sflag:s0] =	ssyncadd.remote.s32 $0x1  }
0x36: {  	_ =	sfence.sel $0xFFFF  }
0x37: {  	[dreg:$0x0] =	wrdreg $0xFFFFFFFF;
	(pc) =	sbr.abs _section_cstart, $3  }
0x38: {  	[dreg:$0x1] =	wrdreg $0xFFFFFFFF  }
0x39: {  	_ =	task.clear_ibuf [dreg:s7], $0x2FFFF;
	_ =	strace $0x9FFFFFFF  }
0x3a: {  	(tm) =	ssettm $0x7FFFFFFF  }
0x3b: {  	_ =	shalt  }
tec
execute0_lowered:
.L_overlay_start_1:
0x0: {  	(tag) =	ssettag $0x1  }
0x1: {  	s0 =	srdreg.scid  }
0x2: {  	s1 =	sshll.u32 s0, $0x4  }
0x3: {  	s0 =	stileid.u32;
	s1 =	sand.u32 $0x10, s1  }
0x4: {  	s1 =	sor.u32 s0, s1  }
0x5: {  	s6 =	rddreg [dreg:$0x0];
	s4 =	simm.s32 $0x1;
	s2 =	sshll.u32 s1, $0x7  }
0x6: {  	s7 =	simm.s32 $0x2;
	s12 =	simm.s32 $0x0;
	s1 =	ssub.s32 $0x4000, s2  }
0x7: {  	s8 =	simm.s32 $0x20000;
	s13 =	simm.s32 $0x0;
	s3 =	sand.u32 $0xF80, s1  }
0x8: {  	s9 =	simm.s32 $0x0;
	s5 =	sshrl.u32 s1, $0xC;
	p0 =	sne.s32 s3, $0x0  }
.Ltmp0:
0x9: {  	s1 =	rddreg [dreg:$0x2];
	s4 =	simm.s32 @!p0 $0x0;
	(pc) =	sbr.rel .LBB1_1-.Ltmp0, $4  }
0xa: {  	s11 =	simm.s32 $0x0;
	s3 =	rddreg [dreg:$0x1];
	s5 =	sadd.s32 s4, s5  }
0xb: {  	_ =	strace $0x8000004A;
	s4 =	simm.s32 $0x1;
	s5 =	smul.u32 $0x32, s5  }
0xc: {  	s6 =	sadd.s32 $0xA00, s6;
	s10 =	smov.u32 s2;
	[sflag:s4] =	ssyncpa.u1 $0x0  }
0xd: {  	p0 =	por $0x0, $0x0;
	[sflag:s7] =	ssyncpa.u1 $0x0;
	s7 =	sor.u32 $0x1, s5  }
.LBB1_4:
0xe: {  	s16 =	sshll.u32 s13, $0x3;
	s17 =	sand.u32 $0x78, s13  }
0xf: {  	s30 =	sand.u32 $0x1F800, s13;
	s12 =	sshll.u32 s12, $0x11;
	s16 =	sand.u32 $0x3C00, s16  }
0x10: {  	[tilespmem:s15+$0x810 ss:$0x81] =	vst.msk $0xffff, v2;
	s31 =	sand.u32 $0x7, s13;
	s16 =	sor.u32 s17, s16;
	s17 =	sadd.s32 s3, s30  }
0x11: {  	[tilespmem:s15+$0x1020 ss:$0x81] =	vst.msk $0xffff, v0;
	s13 =	sshll.u32 s31, $0x12;
	s12 =	sadd.s32 s12, s17;
	s16 =	sshrl.u32 s16, $0x3  }
0x12: {  	[tilespmem:s15+$0x0 ss:$0x81] =	vst.msk $0xffff, v1;
	s13 =	sor.u32 $0x400, s13;
	s12 =	sadd.s32 s16, s12  }
0x13: {  	[hbm4b:s12+s13] =	stream.strided.scatter [tilespmem:s14], [sflag:$0x2], $0x2000, s8, s13, $0x20;
	[tilespmem:$0x8080] =	vst v63  }
.LBB1_5:
0x14: {  	s14 =	sadd.s32 $0x1, s9  }
0x15: {  	s12 =	sadd.s32 $0x1000, s10;
	s16 =	smov.u32 s10;
	p2 =	sgt.s32 s14, $0x31  }
0x16: {  	s16 =	smov.u32 @p2 s12  }
0x17: {  	s14 =	simm.s32 @p2 $0x0;
	p2 =	sgt.s32 s16, $0x3FFF  }
0x18: {  	s16 =	smov.u32 @p2 s2;
	p2 =	sne.s32 s11, s7  }
.Ltmp1:
0x19: {  	p1 =	slt.u32 s11, $0x2;
	(pc) =	sbr.rel @!p2 .LBB1_6-.Ltmp1, $4  }
0x1a: {  	s15 =	simm.s32 @!p1 $0x2  }
0x1b: {  	s13 =	smov.u32 s10;
	p0 =	por !p0, !p0;
	_ =	swait.ge @!p1 [sflag:s15], $0x2000  }
0x1c: {  	s12 =	smov.u32 s9;
	[sflag:s15] =	ssyncset.done @!p1 $0x0;
	s9 =	smov.u32 s14  }
0x1d: {  	s11 =	sadd.s32 $0x1, s11;
	[sflag:s15] =	ssyncadd.s32 @!p1 $0xFFFFE000;
	s10 =	smov.u32 s16  }
.LBB1_1:
0x1e: {  	p1 =	sge.u32 s11, s5  }
0x1f: {  	s14 =	sand.u32 @!p1 $0x1FFFFFF, s9  }
0x20: {  	s15 =	smulhi.u32 @!p1 $0x4924925, s14;
	_ =	sdelay $0x1  }
0x21: {  	s15 =	smul.u32 @!p1 $0x38, s15  }
0x22: {  	s16 =	sxor.u32 @!p1 $0xFFFFFFFF, s11;
	s17 =	smul.u32 @!p1 $0x380, s10  }
0x23: {  	s31 =	sadd.s32 $0xFFFFFFFF, s11;
	s16 =	sshll.u32 @!p1 s16, $0xD;
	s14 =	ssub.s32 @!p1 s14, s15  }
0x24: {  	s15 =	sand.u32 @!p1 $0x2000, s16;
	s16 =	sadd.s32 @!p1 s6, s17;
	s14 =	sshll.u32 @!p1 s14, $0x4  }
0x25: {  	s17 =	simm.s32 @!p1 $0x1C00;
	s14 =	sadd.s32 @!p1 s14, s16;
	s16 =	simm.s32 @!p1 $0x40  }
0x26: {  	[tilespmem:s15], [sflag:$0x1] =	stream.strided.gather @!p1 [hbm4b:s14+s16], $0x2000, s17, s16, $0x38;
	[tilespmem:$0x8080] =	vst v63  }
0x27: {  	p1 =	sge.u32 s31, s5  }
.Ltmp2:
0x28: {  	_ = 	snop;
	(pc) =	sbr.rel @p1 .LBB1_5-.Ltmp2, $1  }
0x29: {  	_ =	sdelay $0x3  }
0x2a: {  	s14 =	simm.s32 $0x1  }
0x2b: {  	_ =	swait.ge [sflag:s4], $0x2000;
	s14 =	simm.s32 @!p0 $0x0  }
0x2c: {  	[sflag:s4] =	ssyncset.done $0x0;
	s15 =	sshll.u32 s14, $0xD  }
0x2d: {  	[sflag:s4] =	ssyncadd.s32 $0xFFFFE000;
	s18 =	sor.u32 $0x20, s15  }
0x2e: {  	s14 =	smul.u32 $0x8100, s14;
	v3 =	vld [tilespmem:s18+$0x10]  }
0x2f: {  	s30 =	sand.u32 $0x1, s11;
	v2 =	vld [tilespmem:s18+$0xFFFFFFF0]  }
0x30: {  	s15 =	smul.u32 $0x8100, s30;
	s14 =	sshrl.u32 s14, $0x2;
	v0 =	vld [tilespmem:s18+$0x0]  }
0x31: {  	v1 =	vld [tilespmem:s18+$0xFFFFFFE0];
	s16 =	sor.u32 $0x4000, s14  }
0x32: {  	s31 =	sshrl.u32 s15, $0x2;
	s15 =	sadd.s32 $0x0, s16  }
0x33: {  	s17 =	simm.s32 $0x4;
	s18 =	sadd.s32 $0x40, s18;
	s14 =	sor.u32 $0x4000, s31;
	[tilespmem:s15+$0x1830 ss:$0x81] =	vst.msk $0xffff, v3  }
.LBB1_3:
0x34: {  	v3 =	vld [tilespmem:s18+$0x10];
	p1 =	sne.s32 s17, $0x1FC;
	[tilespmem:s15+$0x810 ss:$0x81] =	vst.msk $0xffff, v2;
	s19 =	smov.u32 s17;
	s17 =	sadd.s32 $0x4, s17  }
.Ltmp3:
0x35: {  	v2 =	vld [tilespmem:s18+$0xFFFFFFF0];
	[tilespmem:s15+$0x1020 ss:$0x81] =	vst.msk $0xffff, v0;
	(pc) =	sbr.rel @p1 .LBB1_3-.Ltmp3, $4  }
0x36: {  	v0 =	vld [tilespmem:s18+$0x0];
	[tilespmem:s15+$0x0 ss:$0x81] =	vst.msk $0xffff, v1  }
0x37: {  	s15 =	sshra.s32 s19, $0x2;
	v1 =	vld [tilespmem:s18+$0xFFFFFFE0]  }
0x38: {  	s15 =	sadd.s32 s15, s16  }
0x39: {  	s18 =	sadd.s32 $0x40, s18;
	[tilespmem:s15+$0x1830 ss:$0x81] =	vst.msk $0xffff, v3  }
.Ltmp4:
0x3a: {  	_ = 	snop;
	(pc) =	sbr.rel .LBB1_4-.Ltmp4, $1  }
0x3b: {  	_ =	sdelay $0x3  }
.LBB1_6:
0x3c: {  	_ =	sfence.sel $0x180000  }
0x3d: {  	s2 =	simm.s32 $0x1;
	[bflag:$0x0] =	sbarrier.arrive $0xFFFF  }
0x3e: {  	s31 =	simm.s32 $0x2;
	[sflag:s2] =	ssyncpa.u1 $0x1  }
0x3f: {  	[sflag:s31] =	ssyncpa.u1 $0x1  }
0x40: {  	p0 =	sne.s32 s0, $0x0;
	_ =	strace $0x9000004A  }
0x41: {  	s0 =	sadd.s32 @!p0 $0x100000, s1;
	[bflag:$0x2] =	sbarrier.arrive $0xFFFF  }
0x42: {  	[sflag:s0] =	ssyncadd.tile.s32 @!p0 $0x1;
	_ =	shalt  }
.Lfunc_end1:
_tile_overlayer_lowered:
.L_overlay_start_2:
0x43: {  	(tag) =	ssettag $0x2  }
0x44: {  	s0 =	rddreg [dreg:$0x0];
	s2 =	stileid.u32  }
0x45: {  	s1 =	rddreg [dreg:$0x1];
	p0 =	sne.s32 s2, $0x0  }
0x46: {  	s3 =	rddreg [dreg:$0x2];
	[bflag:$0x3] =	sbarrier.arrive $0xFFFF;
	s2 =	simm.s32 @!p0 $0x1C01  }
0x47: {  	[timem:s3], [sflag:s2] =	dma.local @!p0 [hbm:s0], s1  }
0x48: {  	s0 =	simm.s32 @!p0 $0x1  }
0x49: {  	_ =	swait.ge @!p0 [sflag:s0], s1  }
0x4a: {  	s1 =	ssub.s32 @!p0 $0x0, s1;
	[sflag:s0] =	ssyncset.done @!p0 $0x0  }
0x4b: {  	[sflag:s0] =	ssyncadd.s32 @!p0 s1  }
0x4c: {  	[bflag:$0x3] =	sbarrier.arrive $0xFFFF  }
0x4d: {  	_ =	shalt  }

</sc_bundles>
